<compile_context>
chip_gen: v7x
topology: tpu7x:2x2x1
jax: 0.10.2.dev20260603
libtpu: 0.0.44.dev20260713+nightly
codegen_flags: <defaults>
</compile_context>

<pallas_src>
import functools
import math

import jax
import jax.numpy as jnp
from jax import lax
from jax.experimental import pallas as pl
from jax.experimental.pallas import tpu as pltpu
from jax.experimental.pallas import tpu_sc as plsc

D_MODEL = 64
SCALE = math.sqrt(D_MODEL)
LANES = 16
NBUF = 4


@functools.lru_cache(maxsize=None)
def _build_call(rows: int, seq: int, vocab: int, d: int):
    info = plsc.get_sparse_core_info()
    nc, ns = info.num_cores, info.num_subcores
    nw = nc * ns
    assert rows % (nw * NBUF) == 0 and seq % 8 == 0
    r_per_w = rows // nw
    mesh = plsc.VectorSubcoreMesh(core_axis_name="c", subcore_axis_name="s")

    @functools.partial(
        pl.kernel,
        mesh=mesh,
        out_type=jax.ShapeDtypeStruct((rows, seq, d), jnp.float32),
        scratch_types=[
            pltpu.VMEM((r_per_w, seq), jnp.int32),
            pltpu.VMEM((NBUF, seq, d), jnp.float32),
        ]
        + [pltpu.SemaphoreType.DMA] * (2 * NBUF),
        compiler_params=pltpu.CompilerParams(use_tc_tiling_on_sc=False),
    )
    def emb(table_hbm, x_hbm, out_hbm, idx_v, rows_v, *sems):
        sg, sw = sems[:NBUF], sems[NBUF:]
        wid = lax.axis_index("s") * nc + lax.axis_index("c")
        base = wid * r_per_w
        pltpu.sync_copy(x_hbm.at[pl.ds(base, r_per_w)], idx_v)

        def gather_start(g, b):
            pltpu.async_copy(table_hbm.at[idx_v.at[g]], rows_v.at[b], sg[b])

        for b in range(NBUF - 1):
            gather_start(b, b)

        @pl.loop(0, r_per_w, step=NBUF)
        def outer(gg):
            for b in range(NBUF):
                g = gg + b
                pltpu.make_async_copy(
                    table_hbm.at[idx_v.at[0]], rows_v.at[b], sg[b]
                ).wait()

                @plsc.parallel_loop(0, seq, unroll=4)
                def mul(i):
                    for j in range(d // LANES):
                        sl = pl.ds(j * LANES, LANES)
                        rows_v[b, i, sl] = rows_v[b, i, sl] * SCALE

                pltpu.async_copy(rows_v.at[b], out_hbm.at[base + g], sw[b])

                nxt = g + NBUF - 1
                bf = (b + NBUF - 1) % NBUF

                @pl.when(jnp.logical_and(nxt < r_per_w, g >= 1))
                def _():
                    pltpu.make_async_copy(
                        rows_v.at[bf], out_hbm.at[base], sw[bf]
                    ).wait()
                    gather_start(nxt, bf)

                @pl.when(jnp.logical_and(nxt < r_per_w, g < 1))
                def _():
                    gather_start(nxt, bf)

        for b in range(NBUF):
            pltpu.make_async_copy(rows_v.at[b], out_hbm.at[base], sw[b]).wait()

    return emb


def kernel(x, table):
    vocab, d = table.shape
    rows, seq = x.shape
    return _build_call(rows, seq, vocab, d)(table, x.astype(jnp.int32))

# --- scband reference (transcript-rebuilt; emitter-appended) ---
"""Pipeline reference for scband-embeddings-54769422958657 (READ-ONLY COPY).

The authoritative reference and input builder live on the scoring server;
editing this copy changes nothing except your own understanding.
"""

import math
import jax, jax.numpy as jnp
import numpy as np

D_MODEL = 64
VOCAB = 1000000

def setup_inputs(seed: int = 0) -> dict:
    key = jax.random.key(seed)
    k_idx, k_tab = jax.random.split(key)
    x = jax.random.randint(k_idx, (4096, 200), 0, VOCAB, dtype=jnp.int64)
    table = jax.random.normal(k_tab, (VOCAB, D_MODEL), dtype=jnp.float32)
    return {"x": x, "table": table}

def reference(x, table):
    # Embeddings.forward: lookup then scale by sqrt(d_model)
    emb = jnp.take(table, x, axis=0)
    return emb * math.sqrt(D_MODEL)

if __name__ == "__main__":
    import jax
    _d = setup_inputs()
    print(jax.jit(kernel)(*tuple(_d.values())))

</pallas_src>

<mosaic_0001>
#map = affine_map<(d0, d1) -> (0, 0)>
#map1 = affine_map<(d0, d1) -> (0, 0, 0)>
module attributes {stable_mosaic.version = 14 : i64} {
  func.func @emb(%arg0: i32, %arg1: i32, %arg2: memref<1000000x64xf32, #tpu.memory_space<hbm>>, %arg3: memref<4096x200xi32, #tpu.memory_space<hbm>>, %arg4: memref<4096x200x64xf32, #tpu.memory_space<hbm>>, %arg5: memref<128x200xi32, #tpu.memory_space<vmem>>, %arg6: memref<4x200x64xf32, #tpu.memory_space<vmem>>, %arg7: memref<!tpu.dma_semaphore, #tpu.memory_space<semaphore_mem>>, %arg8: memref<!tpu.dma_semaphore, #tpu.memory_space<semaphore_mem>>, %arg9: memref<!tpu.dma_semaphore, #tpu.memory_space<semaphore_mem>>, %arg10: memref<!tpu.dma_semaphore, #tpu.memory_space<semaphore_mem>>, %arg11: memref<!tpu.dma_semaphore, #tpu.memory_space<semaphore_mem>>, %arg12: memref<!tpu.dma_semaphore, #tpu.memory_space<semaphore_mem>>, %arg13: memref<!tpu.dma_semaphore, #tpu.memory_space<semaphore_mem>>, %arg14: memref<!tpu.dma_semaphore, #tpu.memory_space<semaphore_mem>>) attributes {dimension_semantics = [#tpu.dimension_semantics<core_parallel>, #tpu.dimension_semantics<subcore_parallel>], iteration_bounds = array<i64: 2, 16>, scalar_prefetch = 0 : i64, scratch_operands = 10 : i64, tpu.core_type = #tpu.core_type<sc_vector_subcore>, window_params = [{transform_indices = #map}, {transform_indices = #map}, {transform_indices = #map1}]} {
    %mul3A = arith.constant 2 : i32
    %mul3A_0 = arith.muli %arg1, %mul3A : i32
    %add3A = arith.addi %mul3A_0, %arg0 : i32
    %mul3A_1 = arith.constant 128 : i32
    %mul3A_2 = arith.muli %add3A, %mul3A_1 : i32
    "tpu.region"() ({
      %run_scoped3A = tpu.sem_alloc : memref<!tpu.dma_semaphore, #tpu.memory_space<semaphore_mem>>
      %dma_start3A_109 = arith.constant 0 : i32
      %dma_start3A_110 = tpu.memref_slice %arg3[%mul3A_2, %dma_start3A_109] : memref<4096x200xi32, #tpu.memory_space<hbm>> -> memref<128x200xi32, #tpu.memory_space<hbm>>
      %dma_start3A_111 = arith.constant 0 : i32
      %dma_start3A_112 = tpu.memref_slice %arg3[%mul3A_2, %dma_start3A_111] : memref<4096x200xi32, #tpu.memory_space<hbm>> -> memref<128x200xi32, #tpu.memory_space<hbm>>
      tpu.enqueue_dma source(%dma_start3A_112 : memref<128x200xi32, #tpu.memory_space<hbm>>) target(%arg5 : memref<128x200xi32, #tpu.memory_space<vmem>>) target_semaphore(%run_scoped3A : memref<!tpu.dma_semaphore, #tpu.memory_space<semaphore_mem>>)
      %dma_wait3A_113 = arith.constant 0 : i32
      %dma_wait3A_114 = tpu.memref_slice %arg3[%mul3A_2, %dma_wait3A_113] : memref<4096x200xi32, #tpu.memory_space<hbm>> -> memref<128x200xi32, #tpu.memory_space<hbm>>
      %dma_wait3A_115 = arith.constant 0 : i32
      %dma_wait3A_116 = tpu.memref_slice %arg3[%mul3A_2, %dma_wait3A_115] : memref<4096x200xi32, #tpu.memory_space<hbm>> -> memref<128x200xi32, #tpu.memory_space<hbm>>
      tpu.wait_dma2 semaphore(%run_scoped3A : memref<!tpu.dma_semaphore, #tpu.memory_space<semaphore_mem>>) src(%dma_wait3A_116 : memref<128x200xi32, #tpu.memory_space<hbm>>) dst(%arg5 : memref<128x200xi32, #tpu.memory_space<vmem>>)
      tpu.yield
    }) : () -> ()
    %dma_start3A = arith.constant 0 : i32
    %dma_start3A_3 = arith.constant 0 : i32
    %dma_start3A_4 = arith.constant 0 : i32
    %dma_start3A_5 = arith.constant 0 : i32
    %dma_start3A_6 = tpu.memref_slice %arg6[%dma_start3A_3, %dma_start3A_4, %dma_start3A_5] : memref<4x200x64xf32, #tpu.memory_space<vmem>> -> memref<1x200x64xf32, #tpu.memory_space<vmem>>
    %dma_start3A_7 = tpu.memref_squeeze %dma_start3A_6 : memref<1x200x64xf32, #tpu.memory_space<vmem>> -> memref<200x64xf32, #tpu.memory_space<vmem>>
    %dma_start3A_8 = arith.constant 0 : i32
    %dma_start3A_9 = tpu.memref_slice %arg5[%dma_start3A, %dma_start3A_8] : memref<128x200xi32, #tpu.memory_space<vmem>> -> memref<1x200xi32, #tpu.memory_space<vmem>>
    %dma_start3A_10 = tpu.memref_squeeze %dma_start3A_9 : memref<1x200xi32, #tpu.memory_space<vmem>> -> memref<200xi32, #tpu.memory_space<vmem>>
    %dma_start3A_11 = arith.constant 0 : i32
    %dma_start3A_12 = arith.constant 0 : i32
    %dma_start3A_13 = tpu.memref_slice %arg2[%dma_start3A_11, %dma_start3A_12] : memref<1000000x64xf32, #tpu.memory_space<hbm>> -> memref<1000000x64xf32, #tpu.memory_space<hbm>>
    tpu.enqueue_indirect_dma source(%dma_start3A_13 : memref<1000000x64xf32, #tpu.memory_space<hbm>>) target(%dma_start3A_7 : memref<200x64xf32, #tpu.memory_space<vmem>>) offsets(%dma_start3A_10 : memref<200xi32, #tpu.memory_space<vmem>>) semaphore(%arg7 : memref<!tpu.dma_semaphore, #tpu.memory_space<semaphore_mem>>)
    %dma_start3A_14 = arith.constant 1 : i32
    %dma_start3A_15 = arith.constant 1 : i32
    %dma_start3A_16 = arith.constant 0 : i32
    %dma_start3A_17 = arith.constant 0 : i32
    %dma_start3A_18 = tpu.memref_slice %arg6[%dma_start3A_15, %dma_start3A_16, %dma_start3A_17] : memref<4x200x64xf32, #tpu.memory_space<vmem>> -> memref<1x200x64xf32, #tpu.memory_space<vmem>>
    %dma_start3A_19 = tpu.memref_squeeze %dma_start3A_18 : memref<1x200x64xf32, #tpu.memory_space<vmem>> -> memref<200x64xf32, #tpu.memory_space<vmem>>
    %dma_start3A_20 = arith.constant 0 : i32
    %dma_start3A_21 = tpu.memref_slice %arg5[%dma_start3A_14, %dma_start3A_20] : memref<128x200xi32, #tpu.memory_space<vmem>> -> memref<1x200xi32, #tpu.memory_space<vmem>>
    %dma_start3A_22 = tpu.memref_squeeze %dma_start3A_21 : memref<1x200xi32, #tpu.memory_space<vmem>> -> memref<200xi32, #tpu.memory_space<vmem>>
    %dma_start3A_23 = arith.constant 0 : i32
    %dma_start3A_24 = arith.constant 0 : i32
    %dma_start3A_25 = tpu.memref_slice %arg2[%dma_start3A_23, %dma_start3A_24] : memref<1000000x64xf32, #tpu.memory_space<hbm>> -> memref<1000000x64xf32, #tpu.memory_space<hbm>>
    tpu.enqueue_indirect_dma source(%dma_start3A_25 : memref<1000000x64xf32, #tpu.memory_space<hbm>>) target(%dma_start3A_19 : memref<200x64xf32, #tpu.memory_space<vmem>>) offsets(%dma_start3A_22 : memref<200xi32, #tpu.memory_space<vmem>>) semaphore(%arg8 : memref<!tpu.dma_semaphore, #tpu.memory_space<semaphore_mem>>)
    %dma_start3A_26 = arith.constant 2 : i32
    %dma_start3A_27 = arith.constant 2 : i32
    %dma_start3A_28 = arith.constant 0 : i32
    %dma_start3A_29 = arith.constant 0 : i32
    %dma_start3A_30 = tpu.memref_slice %arg6[%dma_start3A_27, %dma_start3A_28, %dma_start3A_29] : memref<4x200x64xf32, #tpu.memory_space<vmem>> -> memref<1x200x64xf32, #tpu.memory_space<vmem>>
    %dma_start3A_31 = tpu.memref_squeeze %dma_start3A_30 : memref<1x200x64xf32, #tpu.memory_space<vmem>> -> memref<200x64xf32, #tpu.memory_space<vmem>>
    %dma_start3A_32 = arith.constant 0 : i32
    %dma_start3A_33 = tpu.memref_slice %arg5[%dma_start3A_26, %dma_start3A_32] : memref<128x200xi32, #tpu.memory_space<vmem>> -> memref<1x200xi32, #tpu.memory_space<vmem>>
    %dma_start3A_34 = tpu.memref_squeeze %dma_start3A_33 : memref<1x200xi32, #tpu.memory_space<vmem>> -> memref<200xi32, #tpu.memory_space<vmem>>
    %dma_start3A_35 = arith.constant 0 : i32
    %dma_start3A_36 = arith.constant 0 : i32
    %dma_start3A_37 = tpu.memref_slice %arg2[%dma_start3A_35, %dma_start3A_36] : memref<1000000x64xf32, #tpu.memory_space<hbm>> -> memref<1000000x64xf32, #tpu.memory_space<hbm>>
    tpu.enqueue_indirect_dma source(%dma_start3A_37 : memref<1000000x64xf32, #tpu.memory_space<hbm>>) target(%dma_start3A_31 : memref<200x64xf32, #tpu.memory_space<vmem>>) offsets(%dma_start3A_34 : memref<200xi32, #tpu.memory_space<vmem>>) semaphore(%arg9 : memref<!tpu.dma_semaphore, #tpu.memory_space<semaphore_mem>>)
    %scan3A = arith.constant 0 : i32
    %scan3A_38 = arith.constant 32 : i32
    %scan3A_39 = arith.addi %scan3A, %scan3A_38 : i32
    %scan3A_40 = arith.constant 1 : i32
    scf.for %scan3A_109 = %scan3A to %scan3A_39 step %scan3A_40  : i32 {
      %mul3A_110 = arith.constant 4 : i32
      %mul3A_111 = arith.muli %scan3A_109, %mul3A_110 : i32
      %add3A_112 = arith.constant 0 : i32
      %add3A_113 = arith.addi %add3A_112, %mul3A_111 : i32
      %add3A_114 = arith.constant 0 : i32
      %add3A_115 = arith.addi %add3A_113, %add3A_114 : i32
      %dma_wait3A_116 = arith.constant 0 : i32
      %dma_wait3A_117 = arith.constant 0 : i32
      %dma_wait3A_118 = arith.constant 0 : i32
      %dma_wait3A_119 = arith.constant 0 : i32
      %dma_wait3A_120 = tpu.memref_slice %arg6[%dma_wait3A_117, %dma_wait3A_118, %dma_wait3A_119] : memref<4x200x64xf32, #tpu.memory_space<vmem>> -> memref<1x200x64xf32, #tpu.memory_space<vmem>>
      %dma_wait3A_121 = tpu.memref_squeeze %dma_wait3A_120 : memref<1x200x64xf32, #tpu.memory_space<vmem>> -> memref<200x64xf32, #tpu.memory_space<vmem>>
      %dma_wait3A_122 = arith.constant 0 : i32
      %dma_wait3A_123 = tpu.memref_slice %arg5[%dma_wait3A_116, %dma_wait3A_122] : memref<128x200xi32, #tpu.memory_space<vmem>> -> memref<1x200xi32, #tpu.memory_space<vmem>>
      %dma_wait3A_124 = tpu.memref_squeeze %dma_wait3A_123 : memref<1x200xi32, #tpu.memory_space<vmem>> -> memref<200xi32, #tpu.memory_space<vmem>>
      %dma_wait3A_125 = arith.constant 0 : i32
      %dma_wait3A_126 = arith.constant 0 : i32
      %dma_wait3A_127 = tpu.memref_slice %arg2[%dma_wait3A_125, %dma_wait3A_126] : memref<1000000x64xf32, #tpu.memory_space<hbm>> -> memref<1000000x64xf32, #tpu.memory_space<hbm>>
      tpu.wait_indirect_dma semaphore(%arg7 : memref<!tpu.dma_semaphore, #tpu.memory_space<semaphore_mem>>) src(%dma_wait3A_127 : memref<1000000x64xf32, #tpu.memory_space<hbm>>) dst(%dma_wait3A_121 : memref<200x64xf32, #tpu.memory_space<vmem>>)
      %parallel_loop3A = arith.constant 0 : i32
      %parallel_loop3A_128 = arith.constant 200 : i32
      %parallel_loop3A_129 = arith.constant 1 : i32
      scf.for %parallel_loop3A_327 = %parallel_loop3A to %parallel_loop3A_128 step %parallel_loop3A_129  : i32 {
        %parallel_loop3A_328 = arith.constant 0 : i32
        %parallel_loop3A_329 = arith.index_cast %parallel_loop3A_328 : i32 to index
        %parallel_loop3A_330 = arith.index_cast %parallel_loop3A_327 : i32 to index
        %parallel_loop3A_331 = arith.constant 0 : index
        %parallel_loop3A_332 = tpu.vector_load %arg6[%parallel_loop3A_329, %parallel_loop3A_330, %parallel_loop3A_331] {strides = array<i32>} : memref<4x200x64xf32, #tpu.memory_space<vmem>>, vector<1x1x16xf32>,
        %parallel_loop3A_333 = vector.shape_cast %parallel_loop3A_332 : vector<1x1x16xf32> to vector<16xf32>
        %parallel_loop3A_334 = arith.constant 8.000000e+00 : f32
        %parallel_loop3A_335 = vector.broadcast %parallel_loop3A_334 : f32 to vector<16xf32>
        %parallel_loop3A_336 = arith.mulf %parallel_loop3A_333, %parallel_loop3A_335 : vector<16xf32>
        %parallel_loop3A_337 = arith.constant 0 : i32
        %parallel_loop3A_338 = arith.index_cast %parallel_loop3A_337 : i32 to index
        %parallel_loop3A_339 = arith.index_cast %parallel_loop3A_327 : i32 to index
        %parallel_loop3A_340 = arith.constant 0 : index
        %parallel_loop3A_341 = tpu.vector_load %arg6[%parallel_loop3A_338, %parallel_loop3A_339, %parallel_loop3A_340] {strides = array<i32>} : memref<4x200x64xf32, #tpu.memory_space<vmem>>, vector<1x1x16xf32>,
        %parallel_loop3A_342 = vector.shape_cast %parallel_loop3A_341 : vector<1x1x16xf32> to vector<16xf32>
        %parallel_loop3A_343 = vector.shape_cast %parallel_loop3A_336 : vector<16xf32> to vector<1x1x16xf32>
        tpu.vector_store %arg6[%parallel_loop3A_338, %parallel_loop3A_339, %parallel_loop3A_340], %parallel_loop3A_343 {strides = array<i32>} : memref<4x200x64xf32, #tpu.memory_space<vmem>>, vector<1x1x16xf32>,
        %parallel_loop3A_344 = arith.constant 0 : i32
        %parallel_loop3A_345 = arith.index_cast %parallel_loop3A_344 : i32 to index
        %parallel_loop3A_346 = arith.index_cast %parallel_loop3A_327 : i32 to index
        %parallel_loop3A_347 = arith.constant 16 : index
        %parallel_loop3A_348 = tpu.vector_load %arg6[%parallel_loop3A_345, %parallel_loop3A_346, %parallel_loop3A_347] {strides = array<i32>} : memref<4x200x64xf32, #tpu.memory_space<vmem>>, vector<1x1x16xf32>,
        %parallel_loop3A_349 = vector.shape_cast %parallel_loop3A_348 : vector<1x1x16xf32> to vector<16xf32>
        %parallel_loop3A_350 = arith.constant 8.000000e+00 : f32
        %parallel_loop3A_351 = vector.broadcast %parallel_loop3A_350 : f32 to vector<16xf32>
        %parallel_loop3A_352 = arith.mulf %parallel_loop3A_349, %parallel_loop3A_351 : vector<16xf32>
        %parallel_loop3A_353 = arith.constant 0 : i32
        %parallel_loop3A_354 = arith.index_cast %parallel_loop3A_353 : i32 to index
        %parallel_loop3A_355 = arith.index_cast %parallel_loop3A_327 : i32 to index
        %parallel_loop3A_356 = arith.constant 16 : index
        %parallel_loop3A_357 = tpu.vector_load %arg6[%parallel_loop3A_354, %parallel_loop3A_355, %parallel_loop3A_356] {strides = array<i32>} : memref<4x200x64xf32, #tpu.memory_space<vmem>>, vector<1x1x16xf32>,
        %parallel_loop3A_358 = vector.shape_cast %parallel_loop3A_357 : vector<1x1x16xf32> to vector<16xf32>
        %parallel_loop3A_359 = vector.shape_cast %parallel_loop3A_352 : vector<16xf32> to vector<1x1x16xf32>
        tpu.vector_store %arg6[%parallel_loop3A_354, %parallel_loop3A_355, %parallel_loop3A_356], %parallel_loop3A_359 {strides = array<i32>} : memref<4x200x64xf32, #tpu.memory_space<vmem>>, vector<1x1x16xf32>,
        %parallel_loop3A_360 = arith.constant 0 : i32
        %parallel_loop3A_361 = arith.index_cast %parallel_loop3A_360 : i32 to index
        %parallel_loop3A_362 = arith.index_cast %parallel_loop3A_327 : i32 to index
        %parallel_loop3A_363 = arith.constant 32 : index
        %parallel_loop3A_364 = tpu.vector_load %arg6[%parallel_loop3A_361, %parallel_loop3A_362, %parallel_loop3A_363] {strides = array<i32>} : memref<4x200x64xf32, #tpu.memory_space<vmem>>, vector<1x1x16xf32>,
        %parallel_loop3A_365 = vector.shape_cast %parallel_loop3A_364 : vector<1x1x16xf32> to vector<16xf32>
        %parallel_loop3A_366 = arith.constant 8.000000e+00 : f32
        %parallel_loop3A_367 = vector.broadcast %parallel_loop3A_366 : f32 to vector<16xf32>
        %parallel_loop3A_368 = arith.mulf %parallel_loop3A_365, %parallel_loop3A_367 : vector<16xf32>
        %parallel_loop3A_369 = arith.constant 0 : i32
        %parallel_loop3A_370 = arith.index_cast %parallel_loop3A_369 : i32 to index
        %parallel_loop3A_371 = arith.index_cast %parallel_loop3A_327 : i32 to index
        %parallel_loop3A_372 = arith.constant 32 : index
        %parallel_loop3A_373 = tpu.vector_load %arg6[%parallel_loop3A_370, %parallel_loop3A_371, %parallel_loop3A_372] {strides = array<i32>} : memref<4x200x64xf32, #tpu.memory_space<vmem>>, vector<1x1x16xf32>,
        %parallel_loop3A_374 = vector.shape_cast %parallel_loop3A_373 : vector<1x1x16xf32> to vector<16xf32>
        %parallel_loop3A_375 = vector.shape_cast %parallel_loop3A_368 : vector<16xf32> to vector<1x1x16xf32>
        tpu.vector_store %arg6[%parallel_loop3A_370, %parallel_loop3A_371, %parallel_loop3A_372], %parallel_loop3A_375 {strides = array<i32>} : memref<4x200x64xf32, #tpu.memory_space<vmem>>, vector<1x1x16xf32>,
        %parallel_loop3A_376 = arith.constant 0 : i32
        %parallel_loop3A_377 = arith.index_cast %parallel_loop3A_376 : i32 to index
        %parallel_loop3A_378 = arith.index_cast %parallel_loop3A_327 : i32 to index
        %parallel_loop3A_379 = arith.constant 48 : index
        %parallel_loop3A_380 = tpu.vector_load %arg6[%parallel_loop3A_377, %parallel_loop3A_378, %parallel_loop3A_379] {strides = array<i32>} : memref<4x200x64xf32, #tpu.memory_space<vmem>>, vector<1x1x16xf32>,
        %parallel_loop3A_381 = vector.shape_cast %parallel_loop3A_380 : vector<1x1x16xf32> to vector<16xf32>
        %parallel_loop3A_382 = arith.constant 8.000000e+00 : f32
        %parallel_loop3A_383 = vector.broadcast %parallel_loop3A_382 : f32 to vector<16xf32>
        %parallel_loop3A_384 = arith.mulf %parallel_loop3A_381, %parallel_loop3A_383 : vector<16xf32>
        %parallel_loop3A_385 = arith.constant 0 : i32
        %parallel_loop3A_386 = arith.index_cast %parallel_loop3A_385 : i32 to index
        %parallel_loop3A_387 = arith.index_cast %parallel_loop3A_327 : i32 to index
        %parallel_loop3A_388 = arith.constant 48 : index
        %parallel_loop3A_389 = tpu.vector_load %arg6[%parallel_loop3A_386, %parallel_loop3A_387, %parallel_loop3A_388] {strides = array<i32>} : memref<4x200x64xf32, #tpu.memory_space<vmem>>, vector<1x1x16xf32>,
        %parallel_loop3A_390 = vector.shape_cast %parallel_loop3A_389 : vector<1x1x16xf32> to vector<16xf32>
        %parallel_loop3A_391 = vector.shape_cast %parallel_loop3A_384 : vector<16xf32> to vector<1x1x16xf32>
        tpu.vector_store %arg6[%parallel_loop3A_386, %parallel_loop3A_387, %parallel_loop3A_388], %parallel_loop3A_391 {strides = array<i32>} : memref<4x200x64xf32, #tpu.memory_space<vmem>>, vector<1x1x16xf32>,
      } {sc.loop_unroll_factor = 4 : i64, sc.parallel_access}
      %add3A_130 = arith.addi %mul3A_2, %add3A_115 : i32
      %dma_start3A_131 = arith.constant 0 : i32
      %dma_start3A_132 = arith.constant 0 : i32
      %dma_start3A_133 = arith.constant 0 : i32
      %dma_start3A_134 = tpu.memref_slice %arg6[%dma_start3A_131, %dma_start3A_132, %dma_start3A_133] : memref<4x200x64xf32, #tpu.memory_space<vmem>> -> memref<1x200x64xf32, #tpu.memory_space<vmem>>
      %dma_start3A_135 = tpu.memref_squeeze %dma_start3A_134 : memref<1x200x64xf32, #tpu.memory_space<vmem>> -> memref<200x64xf32, #tpu.memory_space<vmem>>
      %dma_start3A_136 = arith.constant 0 : i32
      %dma_start3A_137 = arith.constant 0 : i32
      %dma_start3A_138 = tpu.memref_slice %arg4[%add3A_130, %dma_start3A_136, %dma_start3A_137] : memref<4096x200x64xf32, #tpu.memory_space<hbm>> -> memref<1x200x64xf32, #tpu.memory_space<hbm>>
      %dma_start3A_139 = tpu.memref_squeeze %dma_start3A_138 : memref<1x200x64xf32, #tpu.memory_space<hbm>> -> memref<200x64xf32, #tpu.memory_space<hbm>>
      %dma_start3A_140 = arith.constant 0 : i32
      %dma_start3A_141 = arith.constant 0 : i32
      %dma_start3A_142 = tpu.memref_slice %arg4[%add3A_130, %dma_start3A_140, %dma_start3A_141] : memref<4096x200x64xf32, #tpu.memory_space<hbm>> -> memref<1x200x64xf32, #tpu.memory_space<hbm>>
      %dma_start3A_143 = tpu.memref_squeeze %dma_start3A_142 : memref<1x200x64xf32, #tpu.memory_space<hbm>> -> memref<200x64xf32, #tpu.memory_space<hbm>>
      %dma_start3A_144 = arith.constant 0 : i32
      %dma_start3A_145 = arith.constant 0 : i32
      %dma_start3A_146 = tpu.memref_slice %arg6[%dma_start3A_131, %dma_start3A_144, %dma_start3A_145] : memref<4x200x64xf32, #tpu.memory_space<vmem>> -> memref<1x200x64xf32, #tpu.memory_space<vmem>>
      %dma_start3A_147 = tpu.memref_squeeze %dma_start3A_146 : memref<1x200x64xf32, #tpu.memory_space<vmem>> -> memref<200x64xf32, #tpu.memory_space<vmem>>
      tpu.enqueue_dma source(%dma_start3A_147 : memref<200x64xf32, #tpu.memory_space<vmem>>) target(%dma_start3A_143 : memref<200x64xf32, #tpu.memory_space<hbm>>) target_semaphore(%arg11 : memref<!tpu.dma_semaphore, #tpu.memory_space<semaphore_mem>>)
      %add3A_148 = arith.constant 4 : i32
      %add3A_149 = arith.addi %add3A_115, %add3A_148 : i32
      %sub3A = arith.constant 1 : i32
      %sub3A_150 = arith.subi %add3A_149, %sub3A : i32
      %lt3A = arith.constant 128 : i32
      %lt3A_151 = arith.cmpi slt, %sub3A_150, %lt3A : i32
      %ge3A = arith.constant 1 : i32
      %ge3A_152 = arith.cmpi sge, %add3A_115, %ge3A : i32
      %and3A = arith.andi %lt3A_151, %ge3A_152 : i1
      %convert_element_type3A = arith.extui %and3A : i1 to i32
      %cond3A = arith.constant 0 : i32
      %cond3A_153 = arith.cmpi ne, %convert_element_type3A, %cond3A : i32
      scf.if %cond3A_153 {
        %dma_wait3A_327 = arith.constant 3 : i32
        %dma_wait3A_328 = arith.constant 0 : i32
        %dma_wait3A_329 = arith.constant 0 : i32
        %dma_wait3A_330 = tpu.memref_slice %arg6[%dma_wait3A_327, %dma_wait3A_328, %dma_wait3A_329] : memref<4x200x64xf32, #tpu.memory_space<vmem>> -> memref<1x200x64xf32, #tpu.memory_space<vmem>>
        %dma_wait3A_331 = tpu.memref_squeeze %dma_wait3A_330 : memref<1x200x64xf32, #tpu.memory_space<vmem>> -> memref<200x64xf32, #tpu.memory_space<vmem>>
        %dma_wait3A_332 = arith.constant 0 : i32
        %dma_wait3A_333 = arith.constant 0 : i32
        %dma_wait3A_334 = tpu.memref_slice %arg4[%mul3A_2, %dma_wait3A_332, %dma_wait3A_333] : memref<4096x200x64xf32, #tpu.memory_space<hbm>> -> memref<1x200x64xf32, #tpu.memory_space<hbm>>
        %dma_wait3A_335 = tpu.memref_squeeze %dma_wait3A_334 : memref<1x200x64xf32, #tpu.memory_space<hbm>> -> memref<200x64xf32, #tpu.memory_space<hbm>>
        %dma_wait3A_336 = arith.constant 0 : i32
        %dma_wait3A_337 = arith.constant 0 : i32
        %dma_wait3A_338 = tpu.memref_slice %arg4[%mul3A_2, %dma_wait3A_336, %dma_wait3A_337] : memref<4096x200x64xf32, #tpu.memory_space<hbm>> -> memref<1x200x64xf32, #tpu.memory_space<hbm>>
        %dma_wait3A_339 = tpu.memref_squeeze %dma_wait3A_338 : memref<1x200x64xf32, #tpu.memory_space<hbm>> -> memref<200x64xf32, #tpu.memory_space<hbm>>
        %dma_wait3A_340 = arith.constant 0 : i32
        %dma_wait3A_341 = arith.constant 0 : i32
        %dma_wait3A_342 = tpu.memref_slice %arg6[%dma_wait3A_327, %dma_wait3A_340, %dma_wait3A_341] : memref<4x200x64xf32, #tpu.memory_space<vmem>> -> memref<1x200x64xf32, #tpu.memory_space<vmem>>
        %dma_wait3A_343 = tpu.memref_squeeze %dma_wait3A_342 : memref<1x200x64xf32, #tpu.memory_space<vmem>> -> memref<200x64xf32, #tpu.memory_space<vmem>>
        tpu.wait_dma2 semaphore(%arg14 : memref<!tpu.dma_semaphore, #tpu.memory_space<semaphore_mem>>) src(%dma_wait3A_343 : memref<200x64xf32, #tpu.memory_space<vmem>>) dst(%dma_wait3A_339 : memref<200x64xf32, #tpu.memory_space<hbm>>)
        %dma_start3A_344 = arith.constant 3 : i32
        %dma_start3A_345 = arith.constant 0 : i32
        %dma_start3A_346 = arith.constant 0 : i32
        %dma_start3A_347 = tpu.memref_slice %arg6[%dma_start3A_344, %dma_start3A_345, %dma_start3A_346] : memref<4x200x64xf32, #tpu.memory_space<vmem>> -> memref<1x200x64xf32, #tpu.memory_space<vmem>>
        %dma_start3A_348 = tpu.memref_squeeze %dma_start3A_347 : memref<1x200x64xf32, #tpu.memory_space<vmem>> -> memref<200x64xf32, #tpu.memory_space<vmem>>
        %dma_start3A_349 = arith.constant 0 : i32
        %dma_start3A_350 = tpu.memref_slice %arg5[%sub3A_150, %dma_start3A_349] : memref<128x200xi32, #tpu.memory_space<vmem>> -> memref<1x200xi32, #tpu.memory_space<vmem>>
        %dma_start3A_351 = tpu.memref_squeeze %dma_start3A_350 : memref<1x200xi32, #tpu.memory_space<vmem>> -> memref<200xi32, #tpu.memory_space<vmem>>
        %dma_start3A_352 = arith.constant 0 : i32
        %dma_start3A_353 = arith.constant 0 : i32
        %dma_start3A_354 = tpu.memref_slice %arg2[%dma_start3A_352, %dma_start3A_353] : memref<1000000x64xf32, #tpu.memory_space<hbm>> -> memref<1000000x64xf32, #tpu.memory_space<hbm>>
        tpu.enqueue_indirect_dma source(%dma_start3A_354 : memref<1000000x64xf32, #tpu.memory_space<hbm>>) target(%dma_start3A_348 : memref<200x64xf32, #tpu.memory_space<vmem>>) offsets(%dma_start3A_351 : memref<200xi32, #tpu.memory_space<vmem>>) semaphore(%arg10 : memref<!tpu.dma_semaphore, #tpu.memory_space<semaphore_mem>>)
      } else {
      }
      %lt3A_154 = arith.constant 128 : i32
      %lt3A_155 = arith.cmpi slt, %sub3A_150, %lt3A_154 : i32
      %lt3A_156 = arith.constant 1 : i32
      %lt3A_157 = arith.cmpi slt, %add3A_115, %lt3A_156 : i32
      %and3A_158 = arith.andi %lt3A_155, %lt3A_157 : i1
      %convert_element_type3A_159 = arith.extui %and3A_158 : i1 to i32
      %cond3A_160 = arith.constant 0 : i32
      %cond3A_161 = arith.cmpi ne, %convert_element_type3A_159, %cond3A_160 : i32
      scf.if %cond3A_161 {
        %dma_start3A_327 = arith.constant 3 : i32
        %dma_start3A_328 = arith.constant 0 : i32
        %dma_start3A_329 = arith.constant 0 : i32
        %dma_start3A_330 = tpu.memref_slice %arg6[%dma_start3A_327, %dma_start3A_328, %dma_start3A_329] : memref<4x200x64xf32, #tpu.memory_space<vmem>> -> memref<1x200x64xf32, #tpu.memory_space<vmem>>
        %dma_start3A_331 = tpu.memref_squeeze %dma_start3A_330 : memref<1x200x64xf32, #tpu.memory_space<vmem>> -> memref<200x64xf32, #tpu.memory_space<vmem>>
        %dma_start3A_332 = arith.constant 0 : i32
        %dma_start3A_333 = tpu.memref_slice %arg5[%sub3A_150, %dma_start3A_332] : memref<128x200xi32, #tpu.memory_space<vmem>> -> memref<1x200xi32, #tpu.memory_space<vmem>>
        %dma_start3A_334 = tpu.memref_squeeze %dma_start3A_333 : memref<1x200xi32, #tpu.memory_space<vmem>> -> memref<200xi32, #tpu.memory_space<vmem>>
        %dma_start3A_335 = arith.constant 0 : i32
        %dma_start3A_336 = arith.constant 0 : i32
        %dma_start3A_337 = tpu.memref_slice %arg2[%dma_start3A_335, %dma_start3A_336] : memref<1000000x64xf32, #tpu.memory_space<hbm>> -> memref<1000000x64xf32, #tpu.memory_space<hbm>>
        tpu.enqueue_indirect_dma source(%dma_start3A_337 : memref<1000000x64xf32, #tpu.memory_space<hbm>>) target(%dma_start3A_331 : memref<200x64xf32, #tpu.memory_space<vmem>>) offsets(%dma_start3A_334 : memref<200xi32, #tpu.memory_space<vmem>>) semaphore(%arg10 : memref<!tpu.dma_semaphore, #tpu.memory_space<semaphore_mem>>)
      } else {
      }
      %add3A_162 = arith.constant 1 : i32
      %add3A_163 = arith.addi %add3A_113, %add3A_162 : i32
      %dma_wait3A_164 = arith.constant 0 : i32
      %dma_wait3A_165 = arith.constant 1 : i32
      %dma_wait3A_166 = arith.constant 0 : i32
      %dma_wait3A_167 = arith.constant 0 : i32
      %dma_wait3A_168 = tpu.memref_slice %arg6[%dma_wait3A_165, %dma_wait3A_166, %dma_wait3A_167] : memref<4x200x64xf32, #tpu.memory_space<vmem>> -> memref<1x200x64xf32, #tpu.memory_space<vmem>>
      %dma_wait3A_169 = tpu.memref_squeeze %dma_wait3A_168 : memref<1x200x64xf32, #tpu.memory_space<vmem>> -> memref<200x64xf32, #tpu.memory_space<vmem>>
      %dma_wait3A_170 = arith.constant 0 : i32
      %dma_wait3A_171 = tpu.memref_slice %arg5[%dma_wait3A_164, %dma_wait3A_170] : memref<128x200xi32, #tpu.memory_space<vmem>> -> memref<1x200xi32, #tpu.memory_space<vmem>>
      %dma_wait3A_172 = tpu.memref_squeeze %dma_wait3A_171 : memref<1x200xi32, #tpu.memory_space<vmem>> -> memref<200xi32, #tpu.memory_space<vmem>>
      %dma_wait3A_173 = arith.constant 0 : i32
      %dma_wait3A_174 = arith.constant 0 : i32
      %dma_wait3A_175 = tpu.memref_slice %arg2[%dma_wait3A_173, %dma_wait3A_174] : memref<1000000x64xf32, #tpu.memory_space<hbm>> -> memref<1000000x64xf32, #tpu.memory_space<hbm>>
      tpu.wait_indirect_dma semaphore(%arg8 : memref<!tpu.dma_semaphore, #tpu.memory_space<semaphore_mem>>) src(%dma_wait3A_175 : memref<1000000x64xf32, #tpu.memory_space<hbm>>) dst(%dma_wait3A_169 : memref<200x64xf32, #tpu.memory_space<vmem>>)
      %parallel_loop3A_176 = arith.constant 0 : i32
      %parallel_loop3A_177 = arith.constant 200 : i32
      %parallel_loop3A_178 = arith.constant 1 : i32
      scf.for %parallel_loop3A_327 = %parallel_loop3A_176 to %parallel_loop3A_177 step %parallel_loop3A_178  : i32 {
        %parallel_loop3A_328 = arith.constant 1 : i32
        %parallel_loop3A_329 = arith.index_cast %parallel_loop3A_328 : i32 to index
        %parallel_loop3A_330 = arith.index_cast %parallel_loop3A_327 : i32 to index
        %parallel_loop3A_331 = arith.constant 0 : index
        %parallel_loop3A_332 = tpu.vector_load %arg6[%parallel_loop3A_329, %parallel_loop3A_330, %parallel_loop3A_331] {strides = array<i32>} : memref<4x200x64xf32, #tpu.memory_space<vmem>>, vector<1x1x16xf32>,
        %parallel_loop3A_333 = vector.shape_cast %parallel_loop3A_332 : vector<1x1x16xf32> to vector<16xf32>
        %parallel_loop3A_334 = arith.constant 8.000000e+00 : f32
        %parallel_loop3A_335 = vector.broadcast %parallel_loop3A_334 : f32 to vector<16xf32>
        %parallel_loop3A_336 = arith.mulf %parallel_loop3A_333, %parallel_loop3A_335 : vector<16xf32>
        %parallel_loop3A_337 = arith.constant 1 : i32
        %parallel_loop3A_338 = arith.index_cast %parallel_loop3A_337 : i32 to index
        %parallel_loop3A_339 = arith.index_cast %parallel_loop3A_327 : i32 to index
        %parallel_loop3A_340 = arith.constant 0 : index
        %parallel_loop3A_341 = tpu.vector_load %arg6[%parallel_loop3A_338, %parallel_loop3A_339, %parallel_loop3A_340] {strides = array<i32>} : memref<4x200x64xf32, #tpu.memory_space<vmem>>, vector<1x1x16xf32>,
        %parallel_loop3A_342 = vector.shape_cast %parallel_loop3A_341 : vector<1x1x16xf32> to vector<16xf32>
        %parallel_loop3A_343 = vector.shape_cast %parallel_loop3A_336 : vector<16xf32> to vector<1x1x16xf32>
        tpu.vector_store %arg6[%parallel_loop3A_338, %parallel_loop3A_339, %parallel_loop3A_340], %parallel_loop3A_343 {strides = array<i32>} : memref<4x200x64xf32, #tpu.memory_space<vmem>>, vector<1x1x16xf32>,
        %parallel_loop3A_344 = arith.constant 1 : i32
        %parallel_loop3A_345 = arith.index_cast %parallel_loop3A_344 : i32 to index
        %parallel_loop3A_346 = arith.index_cast %parallel_loop3A_327 : i32 to index
        %parallel_loop3A_347 = arith.constant 16 : index
        %parallel_loop3A_348 = tpu.vector_load %arg6[%parallel_loop3A_345, %parallel_loop3A_346, %parallel_loop3A_347] {strides = array<i32>} : memref<4x200x64xf32, #tpu.memory_space<vmem>>, vector<1x1x16xf32>,
        %parallel_loop3A_349 = vector.shape_cast %parallel_loop3A_348 : vector<1x1x16xf32> to vector<16xf32>
        %parallel_loop3A_350 = arith.constant 8.000000e+00 : f32
        %parallel_loop3A_351 = vector.broadcast %parallel_loop3A_350 : f32 to vector<16xf32>
        %parallel_loop3A_352 = arith.mulf %parallel_loop3A_349, %parallel_loop3A_351 : vector<16xf32>
        %parallel_loop3A_353 = arith.constant 1 : i32
        %parallel_loop3A_354 = arith.index_cast %parallel_loop3A_353 : i32 to index
        %parallel_loop3A_355 = arith.index_cast %parallel_loop3A_327 : i32 to index
        %parallel_loop3A_356 = arith.constant 16 : index
        %parallel_loop3A_357 = tpu.vector_load %arg6[%parallel_loop3A_354, %parallel_loop3A_355, %parallel_loop3A_356] {strides = array<i32>} : memref<4x200x64xf32, #tpu.memory_space<vmem>>, vector<1x1x16xf32>,
        %parallel_loop3A_358 = vector.shape_cast %parallel_loop3A_357 : vector<1x1x16xf32> to vector<16xf32>
        %parallel_loop3A_359 = vector.shape_cast %parallel_loop3A_352 : vector<16xf32> to vector<1x1x16xf32>
        tpu.vector_store %arg6[%parallel_loop3A_354, %parallel_loop3A_355, %parallel_loop3A_356], %parallel_loop3A_359 {strides = array<i32>} : memref<4x200x64xf32, #tpu.memory_space<vmem>>, vector<1x1x16xf32>,
        %parallel_loop3A_360 = arith.constant 1 : i32
        %parallel_loop3A_361 = arith.index_cast %parallel_loop3A_360 : i32 to index
        %parallel_loop3A_362 = arith.index_cast %parallel_loop3A_327 : i32 to index
        %parallel_loop3A_363 = arith.constant 32 : index
        %parallel_loop3A_364 = tpu.vector_load %arg6[%parallel_loop3A_361, %parallel_loop3A_362, %parallel_loop3A_363] {strides = array<i32>} : memref<4x200x64xf32, #tpu.memory_space<vmem>>, vector<1x1x16xf32>,
        %parallel_loop3A_365 = vector.shape_cast %parallel_loop3A_364 : vector<1x1x16xf32> to vector<16xf32>
        %parallel_loop3A_366 = arith.constant 8.000000e+00 : f32
        %parallel_loop3A_367 = vector.broadcast %parallel_loop3A_366 : f32 to vector<16xf32>
        %parallel_loop3A_368 = arith.mulf %parallel_loop3A_365, %parallel_loop3A_367 : vector<16xf32>
        %parallel_loop3A_369 = arith.constant 1 : i32
        %parallel_loop3A_370 = arith.index_cast %parallel_loop3A_369 : i32 to index
        %parallel_loop3A_371 = arith.index_cast %parallel_loop3A_327 : i32 to index
        %parallel_loop3A_372 = arith.constant 32 : index
        %parallel_loop3A_373 = tpu.vector_load %arg6[%parallel_loop3A_370, %parallel_loop3A_371, %parallel_loop3A_372] {strides = array<i32>} : memref<4x200x64xf32, #tpu.memory_space<vmem>>, vector<1x1x16xf32>,
        %parallel_loop3A_374 = vector.shape_cast %parallel_loop3A_373 : vector<1x1x16xf32> to vector<16xf32>
        %parallel_loop3A_375 = vector.shape_cast %parallel_loop3A_368 : vector<16xf32> to vector<1x1x16xf32>
        tpu.vector_store %arg6[%parallel_loop3A_370, %parallel_loop3A_371, %parallel_loop3A_372], %parallel_loop3A_375 {strides = array<i32>} : memref<4x200x64xf32, #tpu.memory_space<vmem>>, vector<1x1x16xf32>,
        %parallel_loop3A_376 = arith.constant 1 : i32
        %parallel_loop3A_377 = arith.index_cast %parallel_loop3A_376 : i32 to index
        %parallel_loop3A_378 = arith.index_cast %parallel_loop3A_327 : i32 to index
        %parallel_loop3A_379 = arith.constant 48 : index
        %parallel_loop3A_380 = tpu.vector_load %arg6[%parallel_loop3A_377, %parallel_loop3A_378, %parallel_loop3A_379] {strides = array<i32>} : memref<4x200x64xf32, #tpu.memory_space<vmem>>, vector<1x1x16xf32>,
        %parallel_loop3A_381 = vector.shape_cast %parallel_loop3A_380 : vector<1x1x16xf32> to vector<16xf32>
        %parallel_loop3A_382 = arith.constant 8.000000e+00 : f32
        %parallel_loop3A_383 = vector.broadcast %parallel_loop3A_382 : f32 to vector<16xf32>
        %parallel_loop3A_384 = arith.mulf %parallel_loop3A_381, %parallel_loop3A_383 : vector<16xf32>
        %parallel_loop3A_385 = arith.constant 1 : i32
        %parallel_loop3A_386 = arith.index_cast %parallel_loop3A_385 : i32 to index
        %parallel_loop3A_387 = arith.index_cast %parallel_loop3A_327 : i32 to index
        %parallel_loop3A_388 = arith.constant 48 : index
        %parallel_loop3A_389 = tpu.vector_load %arg6[%parallel_loop3A_386, %parallel_loop3A_387, %parallel_loop3A_388] {strides = array<i32>} : memref<4x200x64xf32, #tpu.memory_space<vmem>>, vector<1x1x16xf32>,
        %parallel_loop3A_390 = vector.shape_cast %parallel_loop3A_389 : vector<1x1x16xf32> to vector<16xf32>
        %parallel_loop3A_391 = vector.shape_cast %parallel_loop3A_384 : vector<16xf32> to vector<1x1x16xf32>
        tpu.vector_store %arg6[%parallel_loop3A_386, %parallel_loop3A_387, %parallel_loop3A_388], %parallel_loop3A_391 {strides = array<i32>} : memref<4x200x64xf32, #tpu.memory_space<vmem>>, vector<1x1x16xf32>,
      } {sc.loop_unroll_factor = 4 : i64, sc.parallel_access}
      %add3A_179 = arith.addi %mul3A_2, %add3A_163 : i32
      %dma_start3A_180 = arith.constant 1 : i32
      %dma_start3A_181 = arith.constant 0 : i32
      %dma_start3A_182 = arith.constant 0 : i32
      %dma_start3A_183 = tpu.memref_slice %arg6[%dma_start3A_180, %dma_start3A_181, %dma_start3A_182] : memref<4x200x64xf32, #tpu.memory_space<vmem>> -> memref<1x200x64xf32, #tpu.memory_space<vmem>>
      %dma_start3A_184 = tpu.memref_squeeze %dma_start3A_183 : memref<1x200x64xf32, #tpu.memory_space<vmem>> -> memref<200x64xf32, #tpu.memory_space<vmem>>
      %dma_start3A_185 = arith.constant 0 : i32
      %dma_start3A_186 = arith.constant 0 : i32
      %dma_start3A_187 = tpu.memref_slice %arg4[%add3A_179, %dma_start3A_185, %dma_start3A_186] : memref<4096x200x64xf32, #tpu.memory_space<hbm>> -> memref<1x200x64xf32, #tpu.memory_space<hbm>>
      %dma_start3A_188 = tpu.memref_squeeze %dma_start3A_187 : memref<1x200x64xf32, #tpu.memory_space<hbm>> -> memref<200x64xf32, #tpu.memory_space<hbm>>
      %dma_start3A_189 = arith.constant 0 : i32
      %dma_start3A_190 = arith.constant 0 : i32
      %dma_start3A_191 = tpu.memref_slice %arg4[%add3A_179, %dma_start3A_189, %dma_start3A_190] : memref<4096x200x64xf32, #tpu.memory_space<hbm>> -> memref<1x200x64xf32, #tpu.memory_space<hbm>>
      %dma_start3A_192 = tpu.memref_squeeze %dma_start3A_191 : memref<1x200x64xf32, #tpu.memory_space<hbm>> -> memref<200x64xf32, #tpu.memory_space<hbm>>
      %dma_start3A_193 = arith.constant 0 : i32
      %dma_start3A_194 = arith.constant 0 : i32
      %dma_start3A_195 = tpu.memref_slice %arg6[%dma_start3A_180, %dma_start3A_193, %dma_start3A_194] : memref<4x200x64xf32, #tpu.memory_space<vmem>> -> memref<1x200x64xf32, #tpu.memory_space<vmem>>
      %dma_start3A_196 = tpu.memref_squeeze %dma_start3A_195 : memref<1x200x64xf32, #tpu.memory_space<vmem>> -> memref<200x64xf32, #tpu.memory_space<vmem>>
      tpu.enqueue_dma source(%dma_start3A_196 : memref<200x64xf32, #tpu.memory_space<vmem>>) target(%dma_start3A_192 : memref<200x64xf32, #tpu.memory_space<hbm>>) target_semaphore(%arg12 : memref<!tpu.dma_semaphore, #tpu.memory_space<semaphore_mem>>)
      %add3A_197 = arith.constant 4 : i32
      %add3A_198 = arith.addi %add3A_163, %add3A_197 : i32
      %sub3A_199 = arith.constant 1 : i32
      %sub3A_200 = arith.subi %add3A_198, %sub3A_199 : i32
      %lt3A_201 = arith.constant 128 : i32
      %lt3A_202 = arith.cmpi slt, %sub3A_200, %lt3A_201 : i32
      %ge3A_203 = arith.constant 1 : i32
      %ge3A_204 = arith.cmpi sge, %add3A_163, %ge3A_203 : i32
      %and3A_205 = arith.andi %lt3A_202, %ge3A_204 : i1
      %convert_element_type3A_206 = arith.extui %and3A_205 : i1 to i32
      %cond3A_207 = arith.constant 0 : i32
      %cond3A_208 = arith.cmpi ne, %convert_element_type3A_206, %cond3A_207 : i32
      scf.if %cond3A_208 {
        %dma_wait3A_327 = arith.constant 0 : i32
        %dma_wait3A_328 = arith.constant 0 : i32
        %dma_wait3A_329 = arith.constant 0 : i32
        %dma_wait3A_330 = tpu.memref_slice %arg6[%dma_wait3A_327, %dma_wait3A_328, %dma_wait3A_329] : memref<4x200x64xf32, #tpu.memory_space<vmem>> -> memref<1x200x64xf32, #tpu.memory_space<vmem>>
        %dma_wait3A_331 = tpu.memref_squeeze %dma_wait3A_330 : memref<1x200x64xf32, #tpu.memory_space<vmem>> -> memref<200x64xf32, #tpu.memory_space<vmem>>
        %dma_wait3A_332 = arith.constant 0 : i32
        %dma_wait3A_333 = arith.constant 0 : i32
        %dma_wait3A_334 = tpu.memref_slice %arg4[%mul3A_2, %dma_wait3A_332, %dma_wait3A_333] : memref<4096x200x64xf32, #tpu.memory_space<hbm>> -> memref<1x200x64xf32, #tpu.memory_space<hbm>>
        %dma_wait3A_335 = tpu.memref_squeeze %dma_wait3A_334 : memref<1x200x64xf32, #tpu.memory_space<hbm>> -> memref<200x64xf32, #tpu.memory_space<hbm>>
        %dma_wait3A_336 = arith.constant 0 : i32
        %dma_wait3A_337 = arith.constant 0 : i32
        %dma_wait3A_338 = tpu.memref_slice %arg4[%mul3A_2, %dma_wait3A_336, %dma_wait3A_337] : memref<4096x200x64xf32, #tpu.memory_space<hbm>> -> memref<1x200x64xf32, #tpu.memory_space<hbm>>
        %dma_wait3A_339 = tpu.memref_squeeze %dma_wait3A_338 : memref<1x200x64xf32, #tpu.memory_space<hbm>> -> memref<200x64xf32, #tpu.memory_space<hbm>>
        %dma_wait3A_340 = arith.constant 0 : i32
        %dma_wait3A_341 = arith.constant 0 : i32
        %dma_wait3A_342 = tpu.memref_slice %arg6[%dma_wait3A_327, %dma_wait3A_340, %dma_wait3A_341] : memref<4x200x64xf32, #tpu.memory_space<vmem>> -> memref<1x200x64xf32, #tpu.memory_space<vmem>>
        %dma_wait3A_343 = tpu.memref_squeeze %dma_wait3A_342 : memref<1x200x64xf32, #tpu.memory_space<vmem>> -> memref<200x64xf32, #tpu.memory_space<vmem>>
        tpu.wait_dma2 semaphore(%arg11 : memref<!tpu.dma_semaphore, #tpu.memory_space<semaphore_mem>>) src(%dma_wait3A_343 : memref<200x64xf32, #tpu.memory_space<vmem>>) dst(%dma_wait3A_339 : memref<200x64xf32, #tpu.memory_space<hbm>>)
        %dma_start3A_344 = arith.constant 0 : i32
        %dma_start3A_345 = arith.constant 0 : i32
        %dma_start3A_346 = arith.constant 0 : i32
        %dma_start3A_347 = tpu.memref_slice %arg6[%dma_start3A_344, %dma_start3A_345, %dma_start3A_346] : memref<4x200x64xf32, #tpu.memory_space<vmem>> -> memref<1x200x64xf32, #tpu.memory_space<vmem>>
        %dma_start3A_348 = tpu.memref_squeeze %dma_start3A_347 : memref<1x200x64xf32, #tpu.memory_space<vmem>> -> memref<200x64xf32, #tpu.memory_space<vmem>>
        %dma_start3A_349 = arith.constant 0 : i32
        %dma_start3A_350 = tpu.memref_slice %arg5[%sub3A_200, %dma_start3A_349] : memref<128x200xi32, #tpu.memory_space<vmem>> -> memref<1x200xi32, #tpu.memory_space<vmem>>
        %dma_start3A_351 = tpu.memref_squeeze %dma_start3A_350 : memref<1x200xi32, #tpu.memory_space<vmem>> -> memref<200xi32, #tpu.memory_space<vmem>>
        %dma_start3A_352 = arith.constant 0 : i32
        %dma_start3A_353 = arith.constant 0 : i32
        %dma_start3A_354 = tpu.memref_slice %arg2[%dma_start3A_352, %dma_start3A_353] : memref<1000000x64xf32, #tpu.memory_space<hbm>> -> memref<1000000x64xf32, #tpu.memory_space<hbm>>
        tpu.enqueue_indirect_dma source(%dma_start3A_354 : memref<1000000x64xf32, #tpu.memory_space<hbm>>) target(%dma_start3A_348 : memref<200x64xf32, #tpu.memory_space<vmem>>) offsets(%dma_start3A_351 : memref<200xi32, #tpu.memory_space<vmem>>) semaphore(%arg7 : memref<!tpu.dma_semaphore, #tpu.memory_space<semaphore_mem>>)
      } else {
      }
      %lt3A_209 = arith.constant 128 : i32
      %lt3A_210 = arith.cmpi slt, %sub3A_200, %lt3A_209 : i32
      %lt3A_211 = arith.constant 1 : i32
      %lt3A_212 = arith.cmpi slt, %add3A_163, %lt3A_211 : i32
      %and3A_213 = arith.andi %lt3A_210, %lt3A_212 : i1
      %convert_element_type3A_214 = arith.extui %and3A_213 : i1 to i32
      %cond3A_215 = arith.constant 0 : i32
      %cond3A_216 = arith.cmpi ne, %convert_element_type3A_214, %cond3A_215 : i32
      scf.if %cond3A_216 {
        %dma_start3A_327 = arith.constant 0 : i32
        %dma_start3A_328 = arith.constant 0 : i32
        %dma_start3A_329 = arith.constant 0 : i32
        %dma_start3A_330 = tpu.memref_slice %arg6[%dma_start3A_327, %dma_start3A_328, %dma_start3A_329] : memref<4x200x64xf32, #tpu.memory_space<vmem>> -> memref<1x200x64xf32, #tpu.memory_space<vmem>>
        %dma_start3A_331 = tpu.memref_squeeze %dma_start3A_330 : memref<1x200x64xf32, #tpu.memory_space<vmem>> -> memref<200x64xf32, #tpu.memory_space<vmem>>
        %dma_start3A_332 = arith.constant 0 : i32
        %dma_start3A_333 = tpu.memref_slice %arg5[%sub3A_200, %dma_start3A_332] : memref<128x200xi32, #tpu.memory_space<vmem>> -> memref<1x200xi32, #tpu.memory_space<vmem>>
        %dma_start3A_334 = tpu.memref_squeeze %dma_start3A_333 : memref<1x200xi32, #tpu.memory_space<vmem>> -> memref<200xi32, #tpu.memory_space<vmem>>
        %dma_start3A_335 = arith.constant 0 : i32
        %dma_start3A_336 = arith.constant 0 : i32
        %dma_start3A_337 = tpu.memref_slice %arg2[%dma_start3A_335, %dma_start3A_336] : memref<1000000x64xf32, #tpu.memory_space<hbm>> -> memref<1000000x64xf32, #tpu.memory_space<hbm>>
        tpu.enqueue_indirect_dma source(%dma_start3A_337 : memref<1000000x64xf32, #tpu.memory_space<hbm>>) target(%dma_start3A_331 : memref<200x64xf32, #tpu.memory_space<vmem>>) offsets(%dma_start3A_334 : memref<200xi32, #tpu.memory_space<vmem>>) semaphore(%arg7 : memref<!tpu.dma_semaphore, #tpu.memory_space<semaphore_mem>>)
      } else {
      }
      %add3A_217 = arith.constant 2 : i32
      %add3A_218 = arith.addi %add3A_113, %add3A_217 : i32
      %dma_wait3A_219 = arith.constant 0 : i32
      %dma_wait3A_220 = arith.constant 2 : i32
      %dma_wait3A_221 = arith.constant 0 : i32
      %dma_wait3A_222 = arith.constant 0 : i32
      %dma_wait3A_223 = tpu.memref_slice %arg6[%dma_wait3A_220, %dma_wait3A_221, %dma_wait3A_222] : memref<4x200x64xf32, #tpu.memory_space<vmem>> -> memref<1x200x64xf32, #tpu.memory_space<vmem>>
      %dma_wait3A_224 = tpu.memref_squeeze %dma_wait3A_223 : memref<1x200x64xf32, #tpu.memory_space<vmem>> -> memref<200x64xf32, #tpu.memory_space<vmem>>
      %dma_wait3A_225 = arith.constant 0 : i32
      %dma_wait3A_226 = tpu.memref_slice %arg5[%dma_wait3A_219, %dma_wait3A_225] : memref<128x200xi32, #tpu.memory_space<vmem>> -> memref<1x200xi32, #tpu.memory_space<vmem>>
      %dma_wait3A_227 = tpu.memref_squeeze %dma_wait3A_226 : memref<1x200xi32, #tpu.memory_space<vmem>> -> memref<200xi32, #tpu.memory_space<vmem>>
      %dma_wait3A_228 = arith.constant 0 : i32
      %dma_wait3A_229 = arith.constant 0 : i32
      %dma_wait3A_230 = tpu.memref_slice %arg2[%dma_wait3A_228, %dma_wait3A_229] : memref<1000000x64xf32, #tpu.memory_space<hbm>> -> memref<1000000x64xf32, #tpu.memory_space<hbm>>
      tpu.wait_indirect_dma semaphore(%arg9 : memref<!tpu.dma_semaphore, #tpu.memory_space<semaphore_mem>>) src(%dma_wait3A_230 : memref<1000000x64xf32, #tpu.memory_space<hbm>>) dst(%dma_wait3A_224 : memref<200x64xf32, #tpu.memory_space<vmem>>)
      %parallel_loop3A_231 = arith.constant 0 : i32
      %parallel_loop3A_232 = arith.constant 200 : i32
      %parallel_loop3A_233 = arith.constant 1 : i32
      scf.for %parallel_loop3A_327 = %parallel_loop3A_231 to %parallel_loop3A_232 step %parallel_loop3A_233  : i32 {
        %parallel_loop3A_328 = arith.constant 2 : i32
        %parallel_loop3A_329 = arith.index_cast %parallel_loop3A_328 : i32 to index
        %parallel_loop3A_330 = arith.index_cast %parallel_loop3A_327 : i32 to index
        %parallel_loop3A_331 = arith.constant 0 : index
        %parallel_loop3A_332 = tpu.vector_load %arg6[%parallel_loop3A_329, %parallel_loop3A_330, %parallel_loop3A_331] {strides = array<i32>} : memref<4x200x64xf32, #tpu.memory_space<vmem>>, vector<1x1x16xf32>,
        %parallel_loop3A_333 = vector.shape_cast %parallel_loop3A_332 : vector<1x1x16xf32> to vector<16xf32>
        %parallel_loop3A_334 = arith.constant 8.000000e+00 : f32
        %parallel_loop3A_335 = vector.broadcast %parallel_loop3A_334 : f32 to vector<16xf32>
        %parallel_loop3A_336 = arith.mulf %parallel_loop3A_333, %parallel_loop3A_335 : vector<16xf32>
        %parallel_loop3A_337 = arith.constant 2 : i32
        %parallel_loop3A_338 = arith.index_cast %parallel_loop3A_337 : i32 to index
        %parallel_loop3A_339 = arith.index_cast %parallel_loop3A_327 : i32 to index
        %parallel_loop3A_340 = arith.constant 0 : index
        %parallel_loop3A_341 = tpu.vector_load %arg6[%parallel_loop3A_338, %parallel_loop3A_339, %parallel_loop3A_340] {strides = array<i32>} : memref<4x200x64xf32, #tpu.memory_space<vmem>>, vector<1x1x16xf32>,
        %parallel_loop3A_342 = vector.shape_cast %parallel_loop3A_341 : vector<1x1x16xf32> to vector<16xf32>
        %parallel_loop3A_343 = vector.shape_cast %parallel_loop3A_336 : vector<16xf32> to vector<1x1x16xf32>
        tpu.vector_store %arg6[%parallel_loop3A_338, %parallel_loop3A_339, %parallel_loop3A_340], %parallel_loop3A_343 {strides = array<i32>} : memref<4x200x64xf32, #tpu.memory_space<vmem>>, vector<1x1x16xf32>,
        %parallel_loop3A_344 = arith.constant 2 : i32
        %parallel_loop3A_345 = arith.index_cast %parallel_loop3A_344 : i32 to index
        %parallel_loop3A_346 = arith.index_cast %parallel_loop3A_327 : i32 to index
        %parallel_loop3A_347 = arith.constant 16 : index
        %parallel_loop3A_348 = tpu.vector_load %arg6[%parallel_loop3A_345, %parallel_loop3A_346, %parallel_loop3A_347] {strides = array<i32>} : memref<4x200x64xf32, #tpu.memory_space<vmem>>, vector<1x1x16xf32>,
        %parallel_loop3A_349 = vector.shape_cast %parallel_loop3A_348 : vector<1x1x16xf32> to vector<16xf32>
        %parallel_loop3A_350 = arith.constant 8.000000e+00 : f32
        %parallel_loop3A_351 = vector.broadcast %parallel_loop3A_350 : f32 to vector<16xf32>
        %parallel_loop3A_352 = arith.mulf %parallel_loop3A_349, %parallel_loop3A_351 : vector<16xf32>
        %parallel_loop3A_353 = arith.constant 2 : i32
        %parallel_loop3A_354 = arith.index_cast %parallel_loop3A_353 : i32 to index
        %parallel_loop3A_355 = arith.index_cast %parallel_loop3A_327 : i32 to index
        %parallel_loop3A_356 = arith.constant 16 : index
        %parallel_loop3A_357 = tpu.vector_load %arg6[%parallel_loop3A_354, %parallel_loop3A_355, %parallel_loop3A_356] {strides = array<i32>} : memref<4x200x64xf32, #tpu.memory_space<vmem>>, vector<1x1x16xf32>,
        %parallel_loop3A_358 = vector.shape_cast %parallel_loop3A_357 : vector<1x1x16xf32> to vector<16xf32>
        %parallel_loop3A_359 = vector.shape_cast %parallel_loop3A_352 : vector<16xf32> to vector<1x1x16xf32>
        tpu.vector_store %arg6[%parallel_loop3A_354, %parallel_loop3A_355, %parallel_loop3A_356], %parallel_loop3A_359 {strides = array<i32>} : memref<4x200x64xf32, #tpu.memory_space<vmem>>, vector<1x1x16xf32>,
        %parallel_loop3A_360 = arith.constant 2 : i32
        %parallel_loop3A_361 = arith.index_cast %parallel_loop3A_360 : i32 to index
        %parallel_loop3A_362 = arith.index_cast %parallel_loop3A_327 : i32 to index
        %parallel_loop3A_363 = arith.constant 32 : index
        %parallel_loop3A_364 = tpu.vector_load %arg6[%parallel_loop3A_361, %parallel_loop3A_362, %parallel_loop3A_363] {strides = array<i32>} : memref<4x200x64xf32, #tpu.memory_space<vmem>>, vector<1x1x16xf32>,
        %parallel_loop3A_365 = vector.shape_cast %parallel_loop3A_364 : vector<1x1x16xf32> to vector<16xf32>
        %parallel_loop3A_366 = arith.constant 8.000000e+00 : f32
        %parallel_loop3A_367 = vector.broadcast %parallel_loop3A_366 : f32 to vector<16xf32>
        %parallel_loop3A_368 = arith.mulf %parallel_loop3A_365, %parallel_loop3A_367 : vector<16xf32>
        %parallel_loop3A_369 = arith.constant 2 : i32
        %parallel_loop3A_370 = arith.index_cast %parallel_loop3A_369 : i32 to index
        %parallel_loop3A_371 = arith.index_cast %parallel_loop3A_327 : i32 to index
        %parallel_loop3A_372 = arith.constant 32 : index
        %parallel_loop3A_373 = tpu.vector_load %arg6[%parallel_loop3A_370, %parallel_loop3A_371, %parallel_loop3A_372] {strides = array<i32>} : memref<4x200x64xf32, #tpu.memory_space<vmem>>, vector<1x1x16xf32>,
        %parallel_loop3A_374 = vector.shape_cast %parallel_loop3A_373 : vector<1x1x16xf32> to vector<16xf32>
        %parallel_loop3A_375 = vector.shape_cast %parallel_loop3A_368 : vector<16xf32> to vector<1x1x16xf32>
        tpu.vector_store %arg6[%parallel_loop3A_370, %parallel_loop3A_371, %parallel_loop3A_372], %parallel_loop3A_375 {strides = array<i32>} : memref<4x200x64xf32, #tpu.memory_space<vmem>>, vector<1x1x16xf32>,
        %parallel_loop3A_376 = arith.constant 2 : i32
        %parallel_loop3A_377 = arith.index_cast %parallel_loop3A_376 : i32 to index
        %parallel_loop3A_378 = arith.index_cast %parallel_loop3A_327 : i32 to index
        %parallel_loop3A_379 = arith.constant 48 : index
        %parallel_loop3A_380 = tpu.vector_load %arg6[%parallel_loop3A_377, %parallel_loop3A_378, %parallel_loop3A_379] {strides = array<i32>} : memref<4x200x64xf32, #tpu.memory_space<vmem>>, vector<1x1x16xf32>,
        %parallel_loop3A_381 = vector.shape_cast %parallel_loop3A_380 : vector<1x1x16xf32> to vector<16xf32>
        %parallel_loop3A_382 = arith.constant 8.000000e+00 : f32
        %parallel_loop3A_383 = vector.broadcast %parallel_loop3A_382 : f32 to vector<16xf32>
        %parallel_loop3A_384 = arith.mulf %parallel_loop3A_381, %parallel_loop3A_383 : vector<16xf32>
        %parallel_loop3A_385 = arith.constant 2 : i32
        %parallel_loop3A_386 = arith.index_cast %parallel_loop3A_385 : i32 to index
        %parallel_loop3A_387 = arith.index_cast %parallel_loop3A_327 : i32 to index
        %parallel_loop3A_388 = arith.constant 48 : index
        %parallel_loop3A_389 = tpu.vector_load %arg6[%parallel_loop3A_386, %parallel_loop3A_387, %parallel_loop3A_388] {strides = array<i32>} : memref<4x200x64xf32, #tpu.memory_space<vmem>>, vector<1x1x16xf32>,
        %parallel_loop3A_390 = vector.shape_cast %parallel_loop3A_389 : vector<1x1x16xf32> to vector<16xf32>
        %parallel_loop3A_391 = vector.shape_cast %parallel_loop3A_384 : vector<16xf32> to vector<1x1x16xf32>
        tpu.vector_store %arg6[%parallel_loop3A_386, %parallel_loop3A_387, %parallel_loop3A_388], %parallel_loop3A_391 {strides = array<i32>} : memref<4x200x64xf32, #tpu.memory_space<vmem>>, vector<1x1x16xf32>,
      } {sc.loop_unroll_factor = 4 : i64, sc.parallel_access}
      %add3A_234 = arith.addi %mul3A_2, %add3A_218 : i32
      %dma_start3A_235 = arith.constant 2 : i32
      %dma_start3A_236 = arith.constant 0 : i32
      %dma_start3A_237 = arith.constant 0 : i32
      %dma_start3A_238 = tpu.memref_slice %arg6[%dma_start3A_235, %dma_start3A_236, %dma_start3A_237] : memref<4x200x64xf32, #tpu.memory_space<vmem>> -> memref<1x200x64xf32, #tpu.memory_space<vmem>>
      %dma_start3A_239 = tpu.memref_squeeze %dma_start3A_238 : memref<1x200x64xf32, #tpu.memory_space<vmem>> -> memref<200x64xf32, #tpu.memory_space<vmem>>
      %dma_start3A_240 = arith.constant 0 : i32
      %dma_start3A_241 = arith.constant 0 : i32
      %dma_start3A_242 = tpu.memref_slice %arg4[%add3A_234, %dma_start3A_240, %dma_start3A_241] : memref<4096x200x64xf32, #tpu.memory_space<hbm>> -> memref<1x200x64xf32, #tpu.memory_space<hbm>>
      %dma_start3A_243 = tpu.memref_squeeze %dma_start3A_242 : memref<1x200x64xf32, #tpu.memory_space<hbm>> -> memref<200x64xf32, #tpu.memory_space<hbm>>
      %dma_start3A_244 = arith.constant 0 : i32
      %dma_start3A_245 = arith.constant 0 : i32
      %dma_start3A_246 = tpu.memref_slice %arg4[%add3A_234, %dma_start3A_244, %dma_start3A_245] : memref<4096x200x64xf32, #tpu.memory_space<hbm>> -> memref<1x200x64xf32, #tpu.memory_space<hbm>>
      %dma_start3A_247 = tpu.memref_squeeze %dma_start3A_246 : memref<1x200x64xf32, #tpu.memory_space<hbm>> -> memref<200x64xf32, #tpu.memory_space<hbm>>
      %dma_start3A_248 = arith.constant 0 : i32
      %dma_start3A_249 = arith.constant 0 : i32
      %dma_start3A_250 = tpu.memref_slice %arg6[%dma_start3A_235, %dma_start3A_248, %dma_start3A_249] : memref<4x200x64xf32, #tpu.memory_space<vmem>> -> memref<1x200x64xf32, #tpu.memory_space<vmem>>
      %dma_start3A_251 = tpu.memref_squeeze %dma_start3A_250 : memref<1x200x64xf32, #tpu.memory_space<vmem>> -> memref<200x64xf32, #tpu.memory_space<vmem>>
      tpu.enqueue_dma source(%dma_start3A_251 : memref<200x64xf32, #tpu.memory_space<vmem>>) target(%dma_start3A_247 : memref<200x64xf32, #tpu.memory_space<hbm>>) target_semaphore(%arg13 : memref<!tpu.dma_semaphore, #tpu.memory_space<semaphore_mem>>)
      %add3A_252 = arith.constant 4 : i32
      %add3A_253 = arith.addi %add3A_218, %add3A_252 : i32
      %sub3A_254 = arith.constant 1 : i32
      %sub3A_255 = arith.subi %add3A_253, %sub3A_254 : i32
      %lt3A_256 = arith.constant 128 : i32
      %lt3A_257 = arith.cmpi slt, %sub3A_255, %lt3A_256 : i32
      %ge3A_258 = arith.constant 1 : i32
      %ge3A_259 = arith.cmpi sge, %add3A_218, %ge3A_258 : i32
      %and3A_260 = arith.andi %lt3A_257, %ge3A_259 : i1
      %convert_element_type3A_261 = arith.extui %and3A_260 : i1 to i32
      %cond3A_262 = arith.constant 0 : i32
      %cond3A_263 = arith.cmpi ne, %convert_element_type3A_261, %cond3A_262 : i32
      scf.if %cond3A_263 {
        %dma_wait3A_327 = arith.constant 1 : i32
        %dma_wait3A_328 = arith.constant 0 : i32
        %dma_wait3A_329 = arith.constant 0 : i32
        %dma_wait3A_330 = tpu.memref_slice %arg6[%dma_wait3A_327, %dma_wait3A_328, %dma_wait3A_329] : memref<4x200x64xf32, #tpu.memory_space<vmem>> -> memref<1x200x64xf32, #tpu.memory_space<vmem>>
        %dma_wait3A_331 = tpu.memref_squeeze %dma_wait3A_330 : memref<1x200x64xf32, #tpu.memory_space<vmem>> -> memref<200x64xf32, #tpu.memory_space<vmem>>
        %dma_wait3A_332 = arith.constant 0 : i32
        %dma_wait3A_333 = arith.constant 0 : i32
        %dma_wait3A_334 = tpu.memref_slice %arg4[%mul3A_2, %dma_wait3A_332, %dma_wait3A_333] : memref<4096x200x64xf32, #tpu.memory_space<hbm>> -> memref<1x200x64xf32, #tpu.memory_space<hbm>>
        %dma_wait3A_335 = tpu.memref_squeeze %dma_wait3A_334 : memref<1x200x64xf32, #tpu.memory_space<hbm>> -> memref<200x64xf32, #tpu.memory_space<hbm>>
        %dma_wait3A_336 = arith.constant 0 : i32
        %dma_wait3A_337 = arith.constant 0 : i32
        %dma_wait3A_338 = tpu.memref_slice %arg4[%mul3A_2, %dma_wait3A_336, %dma_wait3A_337] : memref<4096x200x64xf32, #tpu.memory_space<hbm>> -> memref<1x200x64xf32, #tpu.memory_space<hbm>>
        %dma_wait3A_339 = tpu.memref_squeeze %dma_wait3A_338 : memref<1x200x64xf32, #tpu.memory_space<hbm>> -> memref<200x64xf32, #tpu.memory_space<hbm>>
        %dma_wait3A_340 = arith.constant 0 : i32
        %dma_wait3A_341 = arith.constant 0 : i32
        %dma_wait3A_342 = tpu.memref_slice %arg6[%dma_wait3A_327, %dma_wait3A_340, %dma_wait3A_341] : memref<4x200x64xf32, #tpu.memory_space<vmem>> -> memref<1x200x64xf32, #tpu.memory_space<vmem>>
        %dma_wait3A_343 = tpu.memref_squeeze %dma_wait3A_342 : memref<1x200x64xf32, #tpu.memory_space<vmem>> -> memref<200x64xf32, #tpu.memory_space<vmem>>
        tpu.wait_dma2 semaphore(%arg12 : memref<!tpu.dma_semaphore, #tpu.memory_space<semaphore_mem>>) src(%dma_wait3A_343 : memref<200x64xf32, #tpu.memory_space<vmem>>) dst(%dma_wait3A_339 : memref<200x64xf32, #tpu.memory_space<hbm>>)
        %dma_start3A_344 = arith.constant 1 : i32
        %dma_start3A_345 = arith.constant 0 : i32
        %dma_start3A_346 = arith.constant 0 : i32
        %dma_start3A_347 = tpu.memref_slice %arg6[%dma_start3A_344, %dma_start3A_345, %dma_start3A_346] : memref<4x200x64xf32, #tpu.memory_space<vmem>> -> memref<1x200x64xf32, #tpu.memory_space<vmem>>
        %dma_start3A_348 = tpu.memref_squeeze %dma_start3A_347 : memref<1x200x64xf32, #tpu.memory_space<vmem>> -> memref<200x64xf32, #tpu.memory_space<vmem>>
        %dma_start3A_349 = arith.constant 0 : i32
        %dma_start3A_350 = tpu.memref_slice %arg5[%sub3A_255, %dma_start3A_349] : memref<128x200xi32, #tpu.memory_space<vmem>> -> memref<1x200xi32, #tpu.memory_space<vmem>>
        %dma_start3A_351 = tpu.memref_squeeze %dma_start3A_350 : memref<1x200xi32, #tpu.memory_space<vmem>> -> memref<200xi32, #tpu.memory_space<vmem>>
        %dma_start3A_352 = arith.constant 0 : i32
        %dma_start3A_353 = arith.constant 0 : i32
        %dma_start3A_354 = tpu.memref_slice %arg2[%dma_start3A_352, %dma_start3A_353] : memref<1000000x64xf32, #tpu.memory_space<hbm>> -> memref<1000000x64xf32, #tpu.memory_space<hbm>>
        tpu.enqueue_indirect_dma source(%dma_start3A_354 : memref<1000000x64xf32, #tpu.memory_space<hbm>>) target(%dma_start3A_348 : memref<200x64xf32, #tpu.memory_space<vmem>>) offsets(%dma_start3A_351 : memref<200xi32, #tpu.memory_space<vmem>>) semaphore(%arg8 : memref<!tpu.dma_semaphore, #tpu.memory_space<semaphore_mem>>)
      } else {
      }
      %lt3A_264 = arith.constant 128 : i32
      %lt3A_265 = arith.cmpi slt, %sub3A_255, %lt3A_264 : i32
      %lt3A_266 = arith.constant 1 : i32
      %lt3A_267 = arith.cmpi slt, %add3A_218, %lt3A_266 : i32
      %and3A_268 = arith.andi %lt3A_265, %lt3A_267 : i1
      %convert_element_type3A_269 = arith.extui %and3A_268 : i1 to i32
      %cond3A_270 = arith.constant 0 : i32
      %cond3A_271 = arith.cmpi ne, %convert_element_type3A_269, %cond3A_270 : i32
      scf.if %cond3A_271 {
        %dma_start3A_327 = arith.constant 1 : i32
        %dma_start3A_328 = arith.constant 0 : i32
        %dma_start3A_329 = arith.constant 0 : i32
        %dma_start3A_330 = tpu.memref_slice %arg6[%dma_start3A_327, %dma_start3A_328, %dma_start3A_329] : memref<4x200x64xf32, #tpu.memory_space<vmem>> -> memref<1x200x64xf32, #tpu.memory_space<vmem>>
        %dma_start3A_331 = tpu.memref_squeeze %dma_start3A_330 : memref<1x200x64xf32, #tpu.memory_space<vmem>> -> memref<200x64xf32, #tpu.memory_space<vmem>>
        %dma_start3A_332 = arith.constant 0 : i32
        %dma_start3A_333 = tpu.memref_slice %arg5[%sub3A_255, %dma_start3A_332] : memref<128x200xi32, #tpu.memory_space<vmem>> -> memref<1x200xi32, #tpu.memory_space<vmem>>
        %dma_start3A_334 = tpu.memref_squeeze %dma_start3A_333 : memref<1x200xi32, #tpu.memory_space<vmem>> -> memref<200xi32, #tpu.memory_space<vmem>>
        %dma_start3A_335 = arith.constant 0 : i32
        %dma_start3A_336 = arith.constant 0 : i32
        %dma_start3A_337 = tpu.memref_slice %arg2[%dma_start3A_335, %dma_start3A_336] : memref<1000000x64xf32, #tpu.memory_space<hbm>> -> memref<1000000x64xf32, #tpu.memory_space<hbm>>
        tpu.enqueue_indirect_dma source(%dma_start3A_337 : memref<1000000x64xf32, #tpu.memory_space<hbm>>) target(%dma_start3A_331 : memref<200x64xf32, #tpu.memory_space<vmem>>) offsets(%dma_start3A_334 : memref<200xi32, #tpu.memory_space<vmem>>) semaphore(%arg8 : memref<!tpu.dma_semaphore, #tpu.memory_space<semaphore_mem>>)
      } else {
      }
      %add3A_272 = arith.constant 3 : i32
      %add3A_273 = arith.addi %add3A_113, %add3A_272 : i32
      %dma_wait3A_274 = arith.constant 0 : i32
      %dma_wait3A_275 = arith.constant 3 : i32
      %dma_wait3A_276 = arith.constant 0 : i32
      %dma_wait3A_277 = arith.constant 0 : i32
      %dma_wait3A_278 = tpu.memref_slice %arg6[%dma_wait3A_275, %dma_wait3A_276, %dma_wait3A_277] : memref<4x200x64xf32, #tpu.memory_space<vmem>> -> memref<1x200x64xf32, #tpu.memory_space<vmem>>
      %dma_wait3A_279 = tpu.memref_squeeze %dma_wait3A_278 : memref<1x200x64xf32, #tpu.memory_space<vmem>> -> memref<200x64xf32, #tpu.memory_space<vmem>>
      %dma_wait3A_280 = arith.constant 0 : i32
      %dma_wait3A_281 = tpu.memref_slice %arg5[%dma_wait3A_274, %dma_wait3A_280] : memref<128x200xi32, #tpu.memory_space<vmem>> -> memref<1x200xi32, #tpu.memory_space<vmem>>
      %dma_wait3A_282 = tpu.memref_squeeze %dma_wait3A_281 : memref<1x200xi32, #tpu.memory_space<vmem>> -> memref<200xi32, #tpu.memory_space<vmem>>
      %dma_wait3A_283 = arith.constant 0 : i32
      %dma_wait3A_284 = arith.constant 0 : i32
      %dma_wait3A_285 = tpu.memref_slice %arg2[%dma_wait3A_283, %dma_wait3A_284] : memref<1000000x64xf32, #tpu.memory_space<hbm>> -> memref<1000000x64xf32, #tpu.memory_space<hbm>>
      tpu.wait_indirect_dma semaphore(%arg10 : memref<!tpu.dma_semaphore, #tpu.memory_space<semaphore_mem>>) src(%dma_wait3A_285 : memref<1000000x64xf32, #tpu.memory_space<hbm>>) dst(%dma_wait3A_279 : memref<200x64xf32, #tpu.memory_space<vmem>>)
      %parallel_loop3A_286 = arith.constant 0 : i32
      %parallel_loop3A_287 = arith.constant 200 : i32
      %parallel_loop3A_288 = arith.constant 1 : i32
      scf.for %parallel_loop3A_327 = %parallel_loop3A_286 to %parallel_loop3A_287 step %parallel_loop3A_288  : i32 {
        %parallel_loop3A_328 = arith.constant 3 : i32
        %parallel_loop3A_329 = arith.index_cast %parallel_loop3A_328 : i32 to index
        %parallel_loop3A_330 = arith.index_cast %parallel_loop3A_327 : i32 to index
        %parallel_loop3A_331 = arith.constant 0 : index
        %parallel_loop3A_332 = tpu.vector_load %arg6[%parallel_loop3A_329, %parallel_loop3A_330, %parallel_loop3A_331] {strides = array<i32>} : memref<4x200x64xf32, #tpu.memory_space<vmem>>, vector<1x1x16xf32>,
        %parallel_loop3A_333 = vector.shape_cast %parallel_loop3A_332 : vector<1x1x16xf32> to vector<16xf32>
        %parallel_loop3A_334 = arith.constant 8.000000e+00 : f32
        %parallel_loop3A_335 = vector.broadcast %parallel_loop3A_334 : f32 to vector<16xf32>
        %parallel_loop3A_336 = arith.mulf %parallel_loop3A_333, %parallel_loop3A_335 : vector<16xf32>
        %parallel_loop3A_337 = arith.constant 3 : i32
        %parallel_loop3A_338 = arith.index_cast %parallel_loop3A_337 : i32 to index
        %parallel_loop3A_339 = arith.index_cast %parallel_loop3A_327 : i32 to index
        %parallel_loop3A_340 = arith.constant 0 : index
        %parallel_loop3A_341 = tpu.vector_load %arg6[%parallel_loop3A_338, %parallel_loop3A_339, %parallel_loop3A_340] {strides = array<i32>} : memref<4x200x64xf32, #tpu.memory_space<vmem>>, vector<1x1x16xf32>,
        %parallel_loop3A_342 = vector.shape_cast %parallel_loop3A_341 : vector<1x1x16xf32> to vector<16xf32>
        %parallel_loop3A_343 = vector.shape_cast %parallel_loop3A_336 : vector<16xf32> to vector<1x1x16xf32>
        tpu.vector_store %arg6[%parallel_loop3A_338, %parallel_loop3A_339, %parallel_loop3A_340], %parallel_loop3A_343 {strides = array<i32>} : memref<4x200x64xf32, #tpu.memory_space<vmem>>, vector<1x1x16xf32>,
        %parallel_loop3A_344 = arith.constant 3 : i32
        %parallel_loop3A_345 = arith.index_cast %parallel_loop3A_344 : i32 to index
        %parallel_loop3A_346 = arith.index_cast %parallel_loop3A_327 : i32 to index
        %parallel_loop3A_347 = arith.constant 16 : index
        %parallel_loop3A_348 = tpu.vector_load %arg6[%parallel_loop3A_345, %parallel_loop3A_346, %parallel_loop3A_347] {strides = array<i32>} : memref<4x200x64xf32, #tpu.memory_space<vmem>>, vector<1x1x16xf32>,
        %parallel_loop3A_349 = vector.shape_cast %parallel_loop3A_348 : vector<1x1x16xf32> to vector<16xf32>
        %parallel_loop3A_350 = arith.constant 8.000000e+00 : f32
        %parallel_loop3A_351 = vector.broadcast %parallel_loop3A_350 : f32 to vector<16xf32>
        %parallel_loop3A_352 = arith.mulf %parallel_loop3A_349, %parallel_loop3A_351 : vector<16xf32>
        %parallel_loop3A_353 = arith.constant 3 : i32
        %parallel_loop3A_354 = arith.index_cast %parallel_loop3A_353 : i32 to index
        %parallel_loop3A_355 = arith.index_cast %parallel_loop3A_327 : i32 to index
        %parallel_loop3A_356 = arith.constant 16 : index
        %parallel_loop3A_357 = tpu.vector_load %arg6[%parallel_loop3A_354, %parallel_loop3A_355, %parallel_loop3A_356] {strides = array<i32>} : memref<4x200x64xf32, #tpu.memory_space<vmem>>, vector<1x1x16xf32>,
        %parallel_loop3A_358 = vector.shape_cast %parallel_loop3A_357 : vector<1x1x16xf32> to vector<16xf32>
        %parallel_loop3A_359 = vector.shape_cast %parallel_loop3A_352 : vector<16xf32> to vector<1x1x16xf32>
        tpu.vector_store %arg6[%parallel_loop3A_354, %parallel_loop3A_355, %parallel_loop3A_356], %parallel_loop3A_359 {strides = array<i32>} : memref<4x200x64xf32, #tpu.memory_space<vmem>>, vector<1x1x16xf32>,
        %parallel_loop3A_360 = arith.constant 3 : i32
        %parallel_loop3A_361 = arith.index_cast %parallel_loop3A_360 : i32 to index
        %parallel_loop3A_362 = arith.index_cast %parallel_loop3A_327 : i32 to index
        %parallel_loop3A_363 = arith.constant 32 : index
        %parallel_loop3A_364 = tpu.vector_load %arg6[%parallel_loop3A_361, %parallel_loop3A_362, %parallel_loop3A_363] {strides = array<i32>} : memref<4x200x64xf32, #tpu.memory_space<vmem>>, vector<1x1x16xf32>,
        %parallel_loop3A_365 = vector.shape_cast %parallel_loop3A_364 : vector<1x1x16xf32> to vector<16xf32>
        %parallel_loop3A_366 = arith.constant 8.000000e+00 : f32
        %parallel_loop3A_367 = vector.broadcast %parallel_loop3A_366 : f32 to vector<16xf32>
        %parallel_loop3A_368 = arith.mulf %parallel_loop3A_365, %parallel_loop3A_367 : vector<16xf32>
        %parallel_loop3A_369 = arith.constant 3 : i32
        %parallel_loop3A_370 = arith.index_cast %parallel_loop3A_369 : i32 to index
        %parallel_loop3A_371 = arith.index_cast %parallel_loop3A_327 : i32 to index
        %parallel_loop3A_372 = arith.constant 32 : index
        %parallel_loop3A_373 = tpu.vector_load %arg6[%parallel_loop3A_370, %parallel_loop3A_371, %parallel_loop3A_372] {strides = array<i32>} : memref<4x200x64xf32, #tpu.memory_space<vmem>>, vector<1x1x16xf32>,
        %parallel_loop3A_374 = vector.shape_cast %parallel_loop3A_373 : vector<1x1x16xf32> to vector<16xf32>
        %parallel_loop3A_375 = vector.shape_cast %parallel_loop3A_368 : vector<16xf32> to vector<1x1x16xf32>
        tpu.vector_store %arg6[%parallel_loop3A_370, %parallel_loop3A_371, %parallel_loop3A_372], %parallel_loop3A_375 {strides = array<i32>} : memref<4x200x64xf32, #tpu.memory_space<vmem>>, vector<1x1x16xf32>,
        %parallel_loop3A_376 = arith.constant 3 : i32
        %parallel_loop3A_377 = arith.index_cast %parallel_loop3A_376 : i32 to index
        %parallel_loop3A_378 = arith.index_cast %parallel_loop3A_327 : i32 to index
        %parallel_loop3A_379 = arith.constant 48 : index
        %parallel_loop3A_380 = tpu.vector_load %arg6[%parallel_loop3A_377, %parallel_loop3A_378, %parallel_loop3A_379] {strides = array<i32>} : memref<4x200x64xf32, #tpu.memory_space<vmem>>, vector<1x1x16xf32>,
        %parallel_loop3A_381 = vector.shape_cast %parallel_loop3A_380 : vector<1x1x16xf32> to vector<16xf32>
        %parallel_loop3A_382 = arith.constant 8.000000e+00 : f32
        %parallel_loop3A_383 = vector.broadcast %parallel_loop3A_382 : f32 to vector<16xf32>
        %parallel_loop3A_384 = arith.mulf %parallel_loop3A_381, %parallel_loop3A_383 : vector<16xf32>
        %parallel_loop3A_385 = arith.constant 3 : i32
        %parallel_loop3A_386 = arith.index_cast %parallel_loop3A_385 : i32 to index
        %parallel_loop3A_387 = arith.index_cast %parallel_loop3A_327 : i32 to index
        %parallel_loop3A_388 = arith.constant 48 : index
        %parallel_loop3A_389 = tpu.vector_load %arg6[%parallel_loop3A_386, %parallel_loop3A_387, %parallel_loop3A_388] {strides = array<i32>} : memref<4x200x64xf32, #tpu.memory_space<vmem>>, vector<1x1x16xf32>,
        %parallel_loop3A_390 = vector.shape_cast %parallel_loop3A_389 : vector<1x1x16xf32> to vector<16xf32>
        %parallel_loop3A_391 = vector.shape_cast %parallel_loop3A_384 : vector<16xf32> to vector<1x1x16xf32>
        tpu.vector_store %arg6[%parallel_loop3A_386, %parallel_loop3A_387, %parallel_loop3A_388], %parallel_loop3A_391 {strides = array<i32>} : memref<4x200x64xf32, #tpu.memory_space<vmem>>, vector<1x1x16xf32>,
      } {sc.loop_unroll_factor = 4 : i64, sc.parallel_access}
      %add3A_289 = arith.addi %mul3A_2, %add3A_273 : i32
      %dma_start3A_290 = arith.constant 3 : i32
      %dma_start3A_291 = arith.constant 0 : i32
      %dma_start3A_292 = arith.constant 0 : i32
      %dma_start3A_293 = tpu.memref_slice %arg6[%dma_start3A_290, %dma_start3A_291, %dma_start3A_292] : memref<4x200x64xf32, #tpu.memory_space<vmem>> -> memref<1x200x64xf32, #tpu.memory_space<vmem>>
      %dma_start3A_294 = tpu.memref_squeeze %dma_start3A_293 : memref<1x200x64xf32, #tpu.memory_space<vmem>> -> memref<200x64xf32, #tpu.memory_space<vmem>>
      %dma_start3A_295 = arith.constant 0 : i32
      %dma_start3A_296 = arith.constant 0 : i32
      %dma_start3A_297 = tpu.memref_slice %arg4[%add3A_289, %dma_start3A_295, %dma_start3A_296] : memref<4096x200x64xf32, #tpu.memory_space<hbm>> -> memref<1x200x64xf32, #tpu.memory_space<hbm>>
      %dma_start3A_298 = tpu.memref_squeeze %dma_start3A_297 : memref<1x200x64xf32, #tpu.memory_space<hbm>> -> memref<200x64xf32, #tpu.memory_space<hbm>>
      %dma_start3A_299 = arith.constant 0 : i32
      %dma_start3A_300 = arith.constant 0 : i32
      %dma_start3A_301 = tpu.memref_slice %arg4[%add3A_289, %dma_start3A_299, %dma_start3A_300] : memref<4096x200x64xf32, #tpu.memory_space<hbm>> -> memref<1x200x64xf32, #tpu.memory_space<hbm>>
      %dma_start3A_302 = tpu.memref_squeeze %dma_start3A_301 : memref<1x200x64xf32, #tpu.memory_space<hbm>> -> memref<200x64xf32, #tpu.memory_space<hbm>>
      %dma_start3A_303 = arith.constant 0 : i32
      %dma_start3A_304 = arith.constant 0 : i32
      %dma_start3A_305 = tpu.memref_slice %arg6[%dma_start3A_290, %dma_start3A_303, %dma_start3A_304] : memref<4x200x64xf32, #tpu.memory_space<vmem>> -> memref<1x200x64xf32, #tpu.memory_space<vmem>>
      %dma_start3A_306 = tpu.memref_squeeze %dma_start3A_305 : memref<1x200x64xf32, #tpu.memory_space<vmem>> -> memref<200x64xf32, #tpu.memory_space<vmem>>
      tpu.enqueue_dma source(%dma_start3A_306 : memref<200x64xf32, #tpu.memory_space<vmem>>) target(%dma_start3A_302 : memref<200x64xf32, #tpu.memory_space<hbm>>) target_semaphore(%arg14 : memref<!tpu.dma_semaphore, #tpu.memory_space<semaphore_mem>>)
      %add3A_307 = arith.constant 4 : i32
      %add3A_308 = arith.addi %add3A_273, %add3A_307 : i32
      %sub3A_309 = arith.constant 1 : i32
      %sub3A_310 = arith.subi %add3A_308, %sub3A_309 : i32
      %lt3A_311 = arith.constant 128 : i32
      %lt3A_312 = arith.cmpi slt, %sub3A_310, %lt3A_311 : i32
      %ge3A_313 = arith.constant 1 : i32
      %ge3A_314 = arith.cmpi sge, %add3A_273, %ge3A_313 : i32
      %and3A_315 = arith.andi %lt3A_312, %ge3A_314 : i1
      %convert_element_type3A_316 = arith.extui %and3A_315 : i1 to i32
      %cond3A_317 = arith.constant 0 : i32
      %cond3A_318 = arith.cmpi ne, %convert_element_type3A_316, %cond3A_317 : i32
      scf.if %cond3A_318 {
        %dma_wait3A_327 = arith.constant 2 : i32
        %dma_wait3A_328 = arith.constant 0 : i32
        %dma_wait3A_329 = arith.constant 0 : i32
        %dma_wait3A_330 = tpu.memref_slice %arg6[%dma_wait3A_327, %dma_wait3A_328, %dma_wait3A_329] : memref<4x200x64xf32, #tpu.memory_space<vmem>> -> memref<1x200x64xf32, #tpu.memory_space<vmem>>
        %dma_wait3A_331 = tpu.memref_squeeze %dma_wait3A_330 : memref<1x200x64xf32, #tpu.memory_space<vmem>> -> memref<200x64xf32, #tpu.memory_space<vmem>>
        %dma_wait3A_332 = arith.constant 0 : i32
        %dma_wait3A_333 = arith.constant 0 : i32
        %dma_wait3A_334 = tpu.memref_slice %arg4[%mul3A_2, %dma_wait3A_332, %dma_wait3A_333] : memref<4096x200x64xf32, #tpu.memory_space<hbm>> -> memref<1x200x64xf32, #tpu.memory_space<hbm>>
        %dma_wait3A_335 = tpu.memref_squeeze %dma_wait3A_334 : memref<1x200x64xf32, #tpu.memory_space<hbm>> -> memref<200x64xf32, #tpu.memory_space<hbm>>
        %dma_wait3A_336 = arith.constant 0 : i32
        %dma_wait3A_337 = arith.constant 0 : i32
        %dma_wait3A_338 = tpu.memref_slice %arg4[%mul3A_2, %dma_wait3A_336, %dma_wait3A_337] : memref<4096x200x64xf32, #tpu.memory_space<hbm>> -> memref<1x200x64xf32, #tpu.memory_space<hbm>>
        %dma_wait3A_339 = tpu.memref_squeeze %dma_wait3A_338 : memref<1x200x64xf32, #tpu.memory_space<hbm>> -> memref<200x64xf32, #tpu.memory_space<hbm>>
        %dma_wait3A_340 = arith.constant 0 : i32
        %dma_wait3A_341 = arith.constant 0 : i32
        %dma_wait3A_342 = tpu.memref_slice %arg6[%dma_wait3A_327, %dma_wait3A_340, %dma_wait3A_341] : memref<4x200x64xf32, #tpu.memory_space<vmem>> -> memref<1x200x64xf32, #tpu.memory_space<vmem>>
        %dma_wait3A_343 = tpu.memref_squeeze %dma_wait3A_342 : memref<1x200x64xf32, #tpu.memory_space<vmem>> -> memref<200x64xf32, #tpu.memory_space<vmem>>
        tpu.wait_dma2 semaphore(%arg13 : memref<!tpu.dma_semaphore, #tpu.memory_space<semaphore_mem>>) src(%dma_wait3A_343 : memref<200x64xf32, #tpu.memory_space<vmem>>) dst(%dma_wait3A_339 : memref<200x64xf32, #tpu.memory_space<hbm>>)
        %dma_start3A_344 = arith.constant 2 : i32
        %dma_start3A_345 = arith.constant 0 : i32
        %dma_start3A_346 = arith.constant 0 : i32
        %dma_start3A_347 = tpu.memref_slice %arg6[%dma_start3A_344, %dma_start3A_345, %dma_start3A_346] : memref<4x200x64xf32, #tpu.memory_space<vmem>> -> memref<1x200x64xf32, #tpu.memory_space<vmem>>
        %dma_start3A_348 = tpu.memref_squeeze %dma_start3A_347 : memref<1x200x64xf32, #tpu.memory_space<vmem>> -> memref<200x64xf32, #tpu.memory_space<vmem>>
        %dma_start3A_349 = arith.constant 0 : i32
        %dma_start3A_350 = tpu.memref_slice %arg5[%sub3A_310, %dma_start3A_349] : memref<128x200xi32, #tpu.memory_space<vmem>> -> memref<1x200xi32, #tpu.memory_space<vmem>>
        %dma_start3A_351 = tpu.memref_squeeze %dma_start3A_350 : memref<1x200xi32, #tpu.memory_space<vmem>> -> memref<200xi32, #tpu.memory_space<vmem>>
        %dma_start3A_352 = arith.constant 0 : i32
        %dma_start3A_353 = arith.constant 0 : i32
        %dma_start3A_354 = tpu.memref_slice %arg2[%dma_start3A_352, %dma_start3A_353] : memref<1000000x64xf32, #tpu.memory_space<hbm>> -> memref<1000000x64xf32, #tpu.memory_space<hbm>>
        tpu.enqueue_indirect_dma source(%dma_start3A_354 : memref<1000000x64xf32, #tpu.memory_space<hbm>>) target(%dma_start3A_348 : memref<200x64xf32, #tpu.memory_space<vmem>>) offsets(%dma_start3A_351 : memref<200xi32, #tpu.memory_space<vmem>>) semaphore(%arg9 : memref<!tpu.dma_semaphore, #tpu.memory_space<semaphore_mem>>)
      } else {
      }
      %lt3A_319 = arith.constant 128 : i32
      %lt3A_320 = arith.cmpi slt, %sub3A_310, %lt3A_319 : i32
      %lt3A_321 = arith.constant 1 : i32
      %lt3A_322 = arith.cmpi slt, %add3A_273, %lt3A_321 : i32
      %and3A_323 = arith.andi %lt3A_320, %lt3A_322 : i1
      %convert_element_type3A_324 = arith.extui %and3A_323 : i1 to i32
      %cond3A_325 = arith.constant 0 : i32
      %cond3A_326 = arith.cmpi ne, %convert_element_type3A_324, %cond3A_325 : i32
      scf.if %cond3A_326 {
        %dma_start3A_327 = arith.constant 2 : i32
        %dma_start3A_328 = arith.constant 0 : i32
        %dma_start3A_329 = arith.constant 0 : i32
        %dma_start3A_330 = tpu.memref_slice %arg6[%dma_start3A_327, %dma_start3A_328, %dma_start3A_329] : memref<4x200x64xf32, #tpu.memory_space<vmem>> -> memref<1x200x64xf32, #tpu.memory_space<vmem>>
        %dma_start3A_331 = tpu.memref_squeeze %dma_start3A_330 : memref<1x200x64xf32, #tpu.memory_space<vmem>> -> memref<200x64xf32, #tpu.memory_space<vmem>>
        %dma_start3A_332 = arith.constant 0 : i32
        %dma_start3A_333 = tpu.memref_slice %arg5[%sub3A_310, %dma_start3A_332] : memref<128x200xi32, #tpu.memory_space<vmem>> -> memref<1x200xi32, #tpu.memory_space<vmem>>
        %dma_start3A_334 = tpu.memref_squeeze %dma_start3A_333 : memref<1x200xi32, #tpu.memory_space<vmem>> -> memref<200xi32, #tpu.memory_space<vmem>>
        %dma_start3A_335 = arith.constant 0 : i32
        %dma_start3A_336 = arith.constant 0 : i32
        %dma_start3A_337 = tpu.memref_slice %arg2[%dma_start3A_335, %dma_start3A_336] : memref<1000000x64xf32, #tpu.memory_space<hbm>> -> memref<1000000x64xf32, #tpu.memory_space<hbm>>
        tpu.enqueue_indirect_dma source(%dma_start3A_337 : memref<1000000x64xf32, #tpu.memory_space<hbm>>) target(%dma_start3A_331 : memref<200x64xf32, #tpu.memory_space<vmem>>) offsets(%dma_start3A_334 : memref<200xi32, #tpu.memory_space<vmem>>) semaphore(%arg9 : memref<!tpu.dma_semaphore, #tpu.memory_space<semaphore_mem>>)
      } else {
      }
    }
    %scan3A_41 = arith.constant 32 : i32
    %dma_wait3A = arith.constant 0 : i32
    %dma_wait3A_42 = arith.constant 0 : i32
    %dma_wait3A_43 = arith.constant 0 : i32
    %dma_wait3A_44 = tpu.memref_slice %arg6[%dma_wait3A, %dma_wait3A_42, %dma_wait3A_43] : memref<4x200x64xf32, #tpu.memory_space<vmem>> -> memref<1x200x64xf32, #tpu.memory_space<vmem>>
    %dma_wait3A_45 = tpu.memref_squeeze %dma_wait3A_44 : memref<1x200x64xf32, #tpu.memory_space<vmem>> -> memref<200x64xf32, #tpu.memory_space<vmem>>
    %dma_wait3A_46 = arith.constant 0 : i32
    %dma_wait3A_47 = arith.constant 0 : i32
    %dma_wait3A_48 = tpu.memref_slice %arg4[%mul3A_2, %dma_wait3A_46, %dma_wait3A_47] : memref<4096x200x64xf32, #tpu.memory_space<hbm>> -> memref<1x200x64xf32, #tpu.memory_space<hbm>>
    %dma_wait3A_49 = tpu.memref_squeeze %dma_wait3A_48 : memref<1x200x64xf32, #tpu.memory_space<hbm>> -> memref<200x64xf32, #tpu.memory_space<hbm>>
    %dma_wait3A_50 = arith.constant 0 : i32
    %dma_wait3A_51 = arith.constant 0 : i32
    %dma_wait3A_52 = tpu.memref_slice %arg4[%mul3A_2, %dma_wait3A_50, %dma_wait3A_51] : memref<4096x200x64xf32, #tpu.memory_space<hbm>> -> memref<1x200x64xf32, #tpu.memory_space<hbm>>
    %dma_wait3A_53 = tpu.memref_squeeze %dma_wait3A_52 : memref<1x200x64xf32, #tpu.memory_space<hbm>> -> memref<200x64xf32, #tpu.memory_space<hbm>>
    %dma_wait3A_54 = arith.constant 0 : i32
    %dma_wait3A_55 = arith.constant 0 : i32
    %dma_wait3A_56 = tpu.memref_slice %arg6[%dma_wait3A, %dma_wait3A_54, %dma_wait3A_55] : memref<4x200x64xf32, #tpu.memory_space<vmem>> -> memref<1x200x64xf32, #tpu.memory_space<vmem>>
    %dma_wait3A_57 = tpu.memref_squeeze %dma_wait3A_56 : memref<1x200x64xf32, #tpu.memory_space<vmem>> -> memref<200x64xf32, #tpu.memory_space<vmem>>
    tpu.wait_dma2 semaphore(%arg11 : memref<!tpu.dma_semaphore, #tpu.memory_space<semaphore_mem>>) src(%dma_wait3A_57 : memref<200x64xf32, #tpu.memory_space<vmem>>) dst(%dma_wait3A_53 : memref<200x64xf32, #tpu.memory_space<hbm>>)
    %dma_wait3A_58 = arith.constant 1 : i32
    %dma_wait3A_59 = arith.constant 0 : i32
    %dma_wait3A_60 = arith.constant 0 : i32
    %dma_wait3A_61 = tpu.memref_slice %arg6[%dma_wait3A_58, %dma_wait3A_59, %dma_wait3A_60] : memref<4x200x64xf32, #tpu.memory_space<vmem>> -> memref<1x200x64xf32, #tpu.memory_space<vmem>>
    %dma_wait3A_62 = tpu.memref_squeeze %dma_wait3A_61 : memref<1x200x64xf32, #tpu.memory_space<vmem>> -> memref<200x64xf32, #tpu.memory_space<vmem>>
    %dma_wait3A_63 = arith.constant 0 : i32
    %dma_wait3A_64 = arith.constant 0 : i32
    %dma_wait3A_65 = tpu.memref_slice %arg4[%mul3A_2, %dma_wait3A_63, %dma_wait3A_64] : memref<4096x200x64xf32, #tpu.memory_space<hbm>> -> memref<1x200x64xf32, #tpu.memory_space<hbm>>
    %dma_wait3A_66 = tpu.memref_squeeze %dma_wait3A_65 : memref<1x200x64xf32, #tpu.memory_space<hbm>> -> memref<200x64xf32, #tpu.memory_space<hbm>>
    %dma_wait3A_67 = arith.constant 0 : i32
    %dma_wait3A_68 = arith.constant 0 : i32
    %dma_wait3A_69 = tpu.memref_slice %arg4[%mul3A_2, %dma_wait3A_67, %dma_wait3A_68] : memref<4096x200x64xf32, #tpu.memory_space<hbm>> -> memref<1x200x64xf32, #tpu.memory_space<hbm>>
    %dma_wait3A_70 = tpu.memref_squeeze %dma_wait3A_69 : memref<1x200x64xf32, #tpu.memory_space<hbm>> -> memref<200x64xf32, #tpu.memory_space<hbm>>
    %dma_wait3A_71 = arith.constant 0 : i32
    %dma_wait3A_72 = arith.constant 0 : i32
    %dma_wait3A_73 = tpu.memref_slice %arg6[%dma_wait3A_58, %dma_wait3A_71, %dma_wait3A_72] : memref<4x200x64xf32, #tpu.memory_space<vmem>> -> memref<1x200x64xf32, #tpu.memory_space<vmem>>
    %dma_wait3A_74 = tpu.memref_squeeze %dma_wait3A_73 : memref<1x200x64xf32, #tpu.memory_space<vmem>> -> memref<200x64xf32, #tpu.memory_space<vmem>>
    tpu.wait_dma2 semaphore(%arg12 : memref<!tpu.dma_semaphore, #tpu.memory_space<semaphore_mem>>) src(%dma_wait3A_74 : memref<200x64xf32, #tpu.memory_space<vmem>>) dst(%dma_wait3A_70 : memref<200x64xf32, #tpu.memory_space<hbm>>)
    %dma_wait3A_75 = arith.constant 2 : i32
    %dma_wait3A_76 = arith.constant 0 : i32
    %dma_wait3A_77 = arith.constant 0 : i32
    %dma_wait3A_78 = tpu.memref_slice %arg6[%dma_wait3A_75, %dma_wait3A_76, %dma_wait3A_77] : memref<4x200x64xf32, #tpu.memory_space<vmem>> -> memref<1x200x64xf32, #tpu.memory_space<vmem>>
    %dma_wait3A_79 = tpu.memref_squeeze %dma_wait3A_78 : memref<1x200x64xf32, #tpu.memory_space<vmem>> -> memref<200x64xf32, #tpu.memory_space<vmem>>
    %dma_wait3A_80 = arith.constant 0 : i32
    %dma_wait3A_81 = arith.constant 0 : i32
    %dma_wait3A_82 = tpu.memref_slice %arg4[%mul3A_2, %dma_wait3A_80, %dma_wait3A_81] : memref<4096x200x64xf32, #tpu.memory_space<hbm>> -> memref<1x200x64xf32, #tpu.memory_space<hbm>>
    %dma_wait3A_83 = tpu.memref_squeeze %dma_wait3A_82 : memref<1x200x64xf32, #tpu.memory_space<hbm>> -> memref<200x64xf32, #tpu.memory_space<hbm>>
    %dma_wait3A_84 = arith.constant 0 : i32
    %dma_wait3A_85 = arith.constant 0 : i32
    %dma_wait3A_86 = tpu.memref_slice %arg4[%mul3A_2, %dma_wait3A_84, %dma_wait3A_85] : memref<4096x200x64xf32, #tpu.memory_space<hbm>> -> memref<1x200x64xf32, #tpu.memory_space<hbm>>
    %dma_wait3A_87 = tpu.memref_squeeze %dma_wait3A_86 : memref<1x200x64xf32, #tpu.memory_space<hbm>> -> memref<200x64xf32, #tpu.memory_space<hbm>>
    %dma_wait3A_88 = arith.constant 0 : i32
    %dma_wait3A_89 = arith.constant 0 : i32
    %dma_wait3A_90 = tpu.memref_slice %arg6[%dma_wait3A_75, %dma_wait3A_88, %dma_wait3A_89] : memref<4x200x64xf32, #tpu.memory_space<vmem>> -> memref<1x200x64xf32, #tpu.memory_space<vmem>>
    %dma_wait3A_91 = tpu.memref_squeeze %dma_wait3A_90 : memref<1x200x64xf32, #tpu.memory_space<vmem>> -> memref<200x64xf32, #tpu.memory_space<vmem>>
    tpu.wait_dma2 semaphore(%arg13 : memref<!tpu.dma_semaphore, #tpu.memory_space<semaphore_mem>>) src(%dma_wait3A_91 : memref<200x64xf32, #tpu.memory_space<vmem>>) dst(%dma_wait3A_87 : memref<200x64xf32, #tpu.memory_space<hbm>>)
    %dma_wait3A_92 = arith.constant 3 : i32
    %dma_wait3A_93 = arith.constant 0 : i32
    %dma_wait3A_94 = arith.constant 0 : i32
    %dma_wait3A_95 = tpu.memref_slice %arg6[%dma_wait3A_92, %dma_wait3A_93, %dma_wait3A_94] : memref<4x200x64xf32, #tpu.memory_space<vmem>> -> memref<1x200x64xf32, #tpu.memory_space<vmem>>
    %dma_wait3A_96 = tpu.memref_squeeze %dma_wait3A_95 : memref<1x200x64xf32, #tpu.memory_space<vmem>> -> memref<200x64xf32, #tpu.memory_space<vmem>>
    %dma_wait3A_97 = arith.constant 0 : i32
    %dma_wait3A_98 = arith.constant 0 : i32
    %dma_wait3A_99 = tpu.memref_slice %arg4[%mul3A_2, %dma_wait3A_97, %dma_wait3A_98] : memref<4096x200x64xf32, #tpu.memory_space<hbm>> -> memref<1x200x64xf32, #tpu.memory_space<hbm>>
    %dma_wait3A_100 = tpu.memref_squeeze %dma_wait3A_99 : memref<1x200x64xf32, #tpu.memory_space<hbm>> -> memref<200x64xf32, #tpu.memory_space<hbm>>
    %dma_wait3A_101 = arith.constant 0 : i32
    %dma_wait3A_102 = arith.constant 0 : i32
    %dma_wait3A_103 = tpu.memref_slice %arg4[%mul3A_2, %dma_wait3A_101, %dma_wait3A_102] : memref<4096x200x64xf32, #tpu.memory_space<hbm>> -> memref<1x200x64xf32, #tpu.memory_space<hbm>>
    %dma_wait3A_104 = tpu.memref_squeeze %dma_wait3A_103 : memref<1x200x64xf32, #tpu.memory_space<hbm>> -> memref<200x64xf32, #tpu.memory_space<hbm>>
    %dma_wait3A_105 = arith.constant 0 : i32
    %dma_wait3A_106 = arith.constant 0 : i32
    %dma_wait3A_107 = tpu.memref_slice %arg6[%dma_wait3A_92, %dma_wait3A_105, %dma_wait3A_106] : memref<4x200x64xf32, #tpu.memory_space<vmem>> -> memref<1x200x64xf32, #tpu.memory_space<vmem>>
    %dma_wait3A_108 = tpu.memref_squeeze %dma_wait3A_107 : memref<1x200x64xf32, #tpu.memory_space<vmem>> -> memref<200x64xf32, #tpu.memory_space<vmem>>
    tpu.wait_dma2 semaphore(%arg14 : memref<!tpu.dma_semaphore, #tpu.memory_space<semaphore_mem>>) src(%dma_wait3A_108 : memref<200x64xf32, #tpu.memory_space<vmem>>) dst(%dma_wait3A_104 : memref<200x64xf32, #tpu.memory_space<hbm>>)
    return
  }
}

</mosaic_0001>

<sc_bundles>
// kernel: kernel.3.cloned.1.call-start
scs
__scs_entry_jumppad:
0x0: {  	(pc) =	sbr.rel $0x88, $3  }
0x1: {  	(tag) =	ssettag $0x0;
	lr =	simm.s32 $0x1  }
0x2: {  	[smem:$0x3F9F] =	sst lr;
	_ =	strace $0xD0000000  }
0x3: {  	_ = 	snop  }
0x4: {  	_ = 	snop  }
0x5: {  	_ = 	snop  }
0x6: {  	_ = 	snop  }
0x7: {  	_ = 	snop  }
__scs_overlays_trampoline_lowered:
0x8: {  	[smem:$0x3FAE] =	sst s0  }
0x9: {  	[smem:$0x3FAF] =	sst s1  }
0xa: {  	[smem:$0x3FB0] =	sst s2  }
0xb: {  	[smem:$0x3FB1] =	sst s3  }
0xc: {  	[smem:$0x3FB2] =	sst s4  }
0xd: {  	[smem:$0x3FB3] =	sst s5  }
0xe: {  	[smem:$0x3FB4] =	sst s6  }
0xf: {  	[smem:$0x3FB5] =	sst s7  }
0x10: {  	[smem:$0x3FB6] =	sst s8  }
0x11: {  	[smem:$0x3FB7] =	sst s9;
	s0 =	simm.s32 @!p0 $0x0  }
0x12: {  	s1 =	sld [smem:$0x3F9D];
	s0 =	simm.s32 @p0 $0x1  }
0x13: {  	[smem:$0x3FB8] =	sst s0;
	s0 =	simm.s32 @!p1 $0x0  }
0x14: {  	s2 =	sld [smem:$0x3F9C];
	s0 =	simm.s32 @p1 $0x1  }
0x15: {  	[smem:$0x3FB9] =	sst s0;
	s0 =	simm.s32 @!p2 $0x0  }
0x16: {  	s3 =	sld [smem:$0x3FDB];
	s0 =	simm.s32 @p2 $0x1  }
0x17: {  	s4 =	simm.s32 $0x1BF5;
	[smem:$0x3FBB] =	sst s0  }
0x18: {  	s0 =	sld [smem:$0x3F9E];
	_ =	swait.ge [sflag:s4], $0x0  }
0x19: {  	s7 =	sld [smem:$0x3F9F]  }
0x1a: {  	s8 =	sadd.s32 $0xFFFFE003, lr  }
0x1b: {  	s9 =	sadd.s32 $0xFFFFFEF7, lr;
	s5 =	simm.s32 $0xFFFFFFFF;
	p2 =	slt.u32 s8, $0xFFFFF086  }
0x1c: {  	p1 =	slt.u32 s9, $0xF7A;
	s5 =	simm.s32 @!p2 $0x0  }
0x1d: {  	s5 =	simm.s32 @p1 $0x1;
	p0 =	seq.s32 s7, s2  }
0x1e: {  	s7 =	smul.u32 @!p0 $0xF7A, s2;
	p2 =	seq.s32 @!p0 s5, $0x0  }
0x1f: {  	s9 =	smul.u32 $0xF7A, s1;
	s8 =	simm.s32 @!p0 $0x1BF5;
	p2 =	por !p2, p0  }
0x20: {  	[sflag:s8] =	ssyncset.s32 @!p0 $0xFFFFF086;
	s6 =	sadd.s32 @!p0 s3, s7;
	s7 =	simm.s32 @!p0 $0x108  }
0x21: {  	s3 =	sadd.s32 s3, s9;
	s6 =	sadd.s32 @!p0 $0x88, s6;
	s7 =	simm.s32 @p2 $0x1082  }
0x22: {  	[simem:s7], [sflag:s8] =	dma.local @!p0 [hbm:s6], $0xF7A  }
0x23: {  	s9 =	sor.u32 $0xD0000000, s2;
	s6 =	simm.s32 $0x108;
	_ =	swait.ge @!p0 [sflag:s8], $0x0  }
0x24: {  	s3 =	sadd.s32 $0x88, s3;
	s6 =	simm.s32 @!p1 $0x1082;
	[sflag:s4] =	ssyncset.s32 $0xFFFFF086  }
0x25: {  	[simem:s6], [sflag:s4] =	dma.local [hbm:s3], $0xF7A  }
0x26: {  	[smem:$0x3F9F] =	sst s1;
	(tag) =	ssettag s2;
	_ =	strace s9  }
0x27: {  	s1 =	sld [smem:$0x3FAF]  }
0x28: {  	s2 =	sld [smem:$0x3FB0]  }
0x29: {  	s4 =	sld [smem:$0x3FB2]  }
0x2a: {  	p0 =	seq.s32 s5, $0x0;
	s5 =	sld [smem:$0x3FB3]  }
0x2b: {  	s6 =	sld [smem:$0x3FB4]  }
0x2c: {  	s7 =	sld [smem:$0x3FB5]  }
0x2d: {  	s3 =	simm.s32 $0x108;
	s8 =	sld [smem:$0x3FB6]  }
0x2e: {  	s3 =	simm.s32 @!p0 $0x1082;
	s9 =	sld [smem:$0x3FB7]  }
0x2f: {  	lr =	sadd.s32 s0, s3;
	s0 =	sld [smem:$0x3FAE]  }
0x30: {  	s3 =	sld [smem:$0x3FB1]  }
0x31: {  	[smem:$0x3FBA] =	sst s10  }
0x32: {  	s10 =	sld [smem:$0x3FB8];
	_ =	sdelay $0x3  }
0x33: {  	p0 =	seq.s32 s10, $0x1;
	s10 =	sld [smem:$0x3FBA];
	_ =	sdelay $0x3  }
0x34: {  	[smem:$0x3FBA] =	sst s10  }
0x35: {  	s10 =	sld [smem:$0x3FB9];
	_ =	sdelay $0x3  }
0x36: {  	p1 =	seq.s32 s10, $0x1;
	s10 =	sld [smem:$0x3FBA];
	_ =	sdelay $0x3  }
0x37: {  	[smem:$0x3FBA] =	sst s10  }
0x38: {  	s10 =	sld [smem:$0x3FBB]  }
0x39: {  	_ = 	snop;
	(pc) =	sbr.ind lr, $3  }
0x3a: {  	_ = 	snop  }
0x3b: {  	_ = 	snop  }
0x3c: {  	p2 =	seq.s32 s10, $0x1;
	s10 =	sld [smem:$0x3FBA]  }
0x3d: {  	_ =	shalt  }
0x3e: {  	_ =	shalt  }
0x3f: {  	_ =	shalt  }
0x40: {  	_ =	shalt  }
0x41: {  	_ =	shalt  }
0x42: {  	_ =	shalt  }
0x43: {  	_ =	shalt  }
0x44: {  	_ =	shalt  }
0x45: {  	_ =	shalt  }
0x46: {  	_ =	shalt  }
0x47: {  	_ =	shalt  }
0x48: {  	_ =	shalt  }
0x49: {  	_ =	shalt  }
0x4a: {  	_ =	shalt  }
0x4b: {  	_ =	shalt  }
0x4c: {  	_ =	shalt  }
0x4d: {  	_ =	shalt  }
0x4e: {  	_ =	shalt  }
0x4f: {  	_ =	shalt  }
0x50: {  	_ =	shalt  }
0x51: {  	_ =	shalt  }
0x52: {  	_ =	shalt  }
0x53: {  	_ =	shalt  }
0x54: {  	_ =	shalt  }
0x55: {  	_ =	shalt  }
0x56: {  	_ =	shalt  }
0x57: {  	_ =	shalt  }
0x58: {  	_ =	shalt  }
0x59: {  	_ =	shalt  }
0x5a: {  	_ =	shalt  }
0x5b: {  	_ =	shalt  }
0x5c: {  	_ =	shalt  }
0x5d: {  	_ =	shalt  }
0x5e: {  	_ =	shalt  }
0x5f: {  	_ =	shalt  }
0x60: {  	_ =	shalt  }
0x61: {  	_ =	shalt  }
0x62: {  	_ =	shalt  }
0x63: {  	_ =	shalt  }
0x64: {  	_ =	shalt  }
0x65: {  	_ =	shalt  }
0x66: {  	_ =	shalt  }
0x67: {  	_ =	shalt  }
0x68: {  	_ =	shalt  }
0x69: {  	_ =	shalt  }
0x6a: {  	_ =	shalt  }
0x6b: {  	_ =	shalt  }
0x6c: {  	_ =	shalt  }
0x6d: {  	_ =	shalt  }
0x6e: {  	_ =	shalt  }
0x6f: {  	_ =	shalt  }
0x70: {  	_ =	shalt  }
0x71: {  	_ =	shalt  }
0x72: {  	_ =	shalt  }
0x73: {  	_ =	shalt  }
0x74: {  	_ =	shalt  }
0x75: {  	_ =	shalt  }
0x76: {  	_ =	shalt  }
0x77: {  	_ =	shalt  }
0x78: {  	_ =	shalt  }
0x79: {  	_ =	shalt  }
0x7a: {  	_ =	shalt  }
0x7b: {  	_ =	shalt  }
0x7c: {  	_ =	shalt  }
0x7d: {  	_ =	shalt  }
0x7e: {  	_ =	shalt  }
0x7f: {  	_ =	shalt  }
0x80: {  	_ =	shalt  }
0x81: {  	_ =	shalt  }
0x82: {  	_ =	shalt  }
0x83: {  	_ =	shalt  }
0x84: {  	_ =	shalt  }
0x85: {  	_ =	shalt  }
0x86: {  	_ =	shalt  }
0x87: {  	_ =	shalt  }
.Lfunc_end0:
.L_simem_size_0:
called_computation.1_lowered:
.L_overlay_start_0:
0x88: {  	s2 =	sld [smem:$0x3FD9]  }
0x89: {  	s3 =	sld [smem:$0x3FFE];
	_ =	sdelay $0x1  }
0x8a: {  	s1 =	srdreg.scid  }
0x8b: {  	s0 =	sand.u32 $0x1, s1  }
0x8c: {  	s17 =	sshll.u32 s0, $0xA;
	s2 =	sadd.s32 s3, s2  }
0x8d: {  	s2 =	sadd.s32 s2, s17  }
0x8e: {  	[smem:$0x3FC6] =	sst s2  }
0x8f: {  	_ = 	snop  }
0x90: {  	s2 =	sld [smem:$0x3FD0];
	(tm) =	ssettm $0x1  }
0x91: {  	s18 =	sld [smem:$0x3FFB];
	_ =	sdelay $0x3  }
0x92: {  	_ =	strace s18  }
0x93: {  	s3 =	sld [smem:$0x3FFC];
	_ =	sdelay $0x3  }
0x94: {  	_ =	strace s3  }
0x95: {  	s3 =	sld [smem:$0x3FFD];
	_ =	sdelay $0x3  }
0x96: {  	_ =	strace s3  }
0x97: {  	_ =	strace $0x8FFFFFFF  }
0x98: {  	s19 =	sld [smem:$0x3FDB];
	_ =	sdelay $0x1  }
0x99: {  	s4 =	simm.s32 $_scs_section_size  }
0x9a: {  	s5 =	simm.s32 $_size__tile_overlayer_lowered;
	s6 =	simm.s32 $_tile_overlayer_lowered  }
0x9b: {  	s22 =	simm.s32 $0x1BFF;
	s21 =	sshll.u32 s6, $0x1;
	s3 =	sadd.s32 s4, s19  }
0x9c: {  	s7 =	simm.s32 $0x0;
	s20 =	sshll.u32 s5, $0x1;
	s5 =	sadd.s32 s21, s3  }
0x9d: {  	[timem:s7], [sflag:s22] =	dma.local [hbm:s5], s20  }
0x9e: {  	_ =	swait.ge [sflag:s22], s20  }
0x9f: {  	s4 =	ssub.s32 $0x0, s20;
	[sflag:s22] =	ssyncset.done $0x0  }
0xa0: {  	[sflag:s22] =	ssyncadd.s32 s4;
	_ =	sdelay $0x1  }
0xa1: {  	s23 =	simm.s32 $0x1B8B  }
0xa2: {  	_ =	swait.ge [sflag:s23], $0x1  }
0xa3: {  	[sflag:s23] =	ssyncset.done $0x0  }
0xa4: {  	s25 =	simm.s32 $0x1B8E;
	s24 =	sld [smem:$0x3FFE];
	[sflag:s23] =	ssyncadd.s32 $0xFFFFFFFF  }
0xa5: {  	s26 =	simm.s32 $execute0_lowered;
	[smem:$0x3FD2] =	sst s25  }
0xa6: {  	s5 =	sshll.u32 s26, $0x1;
	_ =	strace $0x80000046;
	[dreg:$0x1] =	wrdreg $0xFFFFFFFF  }
0xa7: {  	s28 =	simm.s32 $_size_execute0_lowered;
	s3 =	sadd.s32 s3, s5;
	[dreg:$0x0] =	wrdreg $0x0  }
0xa8: {  	s5 =	sshll.u32 s28, $0x1;
	[dreg:$0x2] =	wrdreg s3  }
0xa9: {  	[dreg:$0x3] =	wrdreg s5  }
0xaa: {  	[dreg:$0x4] =	wrdreg $0xC0  }
0xab: {  	_ =	task [dreg:s7], $0x5FFFF  }
0xac: {  	[dreg:$0x1] =	wrdreg $0xFFFFFFFF  }
0xad: {  	[dreg:$0x0] =	wrdreg $0x60  }
0xae: {  	[dreg:$0x2] =	wrdreg s24  }
0xaf: {  	[dreg:$0x3] =	wrdreg s2  }
0xb0: {  	[dreg:$0x4] =	wrdreg $0x9  }
0xb1: {  	_ =	task.clear_ibuf [dreg:s7], $0x5FFFF;
	_ =	strace $0x90000046  }
0xb2: {  	s29 =	simm.s32 $0x9;
	_ =	strace $0x80000048  }
0xb3: {  	_ =	swait.ge [sflag:s29], $0x1  }
0xb4: {  	[sflag:s29] =	ssyncadd.s32 $0xFFFFFFFF  }
0xb5: {  	_ =	strace $0x90000048  }
0xb6: {  	_ =	sfence  }
0xb7: {  	s30 =	sld [smem:$0x0];
	_ =	sdelay $0x2  }
0xb8: {  	s31 =	sshll.u32 s1, $0xD;
	s1 =	sshrl.u32 s1, $0x2  }
0xb9: {  	s3 =	sand.u32 $0x4000, s31;
	s1 =	sadd.s32 s1, s30  }
0xba: {  	s0 =	sor.u32 s3, s0;
	s1 =	sshll.u32 s1, $0x11  }
0xbb: {  	s0 =	sor.u32 s1, s0  }
0xbc: {  	s0 =	sadd.s32 $0x8F2B, s0  }
0xbd: {  	[sflag:s0] =	ssyncadd.remote.s32 $0x1  }
0xbe: {  	_ =	sfence.sel $0xFFFF  }
0xbf: {  	[dreg:$0x0] =	wrdreg $0xFFFFFFFF;
	(pc) =	sbr.abs _section_cstart, $3  }
0xc0: {  	[dreg:$0x1] =	wrdreg $0xFFFFFFFF  }
0xc1: {  	_ =	task.clear_ibuf [dreg:s7], $0x2FFFF;
	_ =	strace $0x9FFFFFFF  }
0xc2: {  	(tm) =	ssettm $0x7FFFFFFF  }
0xc3: {  	_ =	shalt  }
tec
execute0_lowered:
.L_overlay_start_1:
0x0: {  	(tag) =	ssettag $0x1  }
0x1: {  	s1 =	srdreg.scid;
	s6 =	rddreg [dreg:$0x0]  }
0x2: {  	s0 =	stileid.u32;
	s2 =	rddreg [dreg:$0x1]  }
0x3: {  	s3 =	simm.s32 $0x0;
	s10 =	simm.s32 $0x6400;
	s11 =	simm.s32 $0x9600  }
0x4: {  	s12 =	simm.s32 $0x190;
	s13 =	simm.s32 $0xC800;
	s14 =	simm.s32 $0x1  }
0x5: {  	s15 =	simm.s32 $0xFA00;
	s16 =	simm.s32 $0x2;
	s17 =	simm.s32 $0x3  }
0x6: {  	s18 =	simm.s32 $0x4;
	s19 =	simm.s32 $0x5;
	s20 =	simm.s32 $0x6  }
0x7: {  	s21 =	simm.s32 $0x7;
	s22 =	simm.s32 $0x8;
	s5 =	sand.u32 $0x1, s1  }
0x8: {  	s23 =	simm.s32 $0x0;
	s4 =	sshll.u32 s0, $0x8;
	s7 =	sshll.u32 s5, $0x7  }
.Ltmp0:
0x9: {  	s1 =	rddreg [dreg:$0x2];
	s4 =	sor.u32 s7, s4;
	(pc) =	sbr.rel .LBB2_1-.Ltmp0, $4  }
0xa: {  	[smem:$0x7FF] =	sst s3;
	s8 =	ssub.s32 $0x2, s5;
	s7 =	smul.u32 $0x19, s4  }
0xb: {  	_ =	strace $0x80000047;
	s5 =	sadd.s32 $0xF42E00, s6;
	s9 =	sshrl.u32 s8, $0x1  }
0xc: {  	s31 =	ssub.s32 s8, s9;
	s8 =	simm.s32 $0x9;
	s6 =	sadd.s32 s7, s6  }
0xd: {  	s9 =	simm.s32 $0xC8;
	s7 =	smax.u32 s31, $0x1;
	s6 =	sadd.s32 $0xA00, s6  }
.LBB2_12:
0xe: {  	_ =	swait.ge [sflag:s19], $0x3200  }
0xf: {  	[sflag:s19] =	ssyncset.done $0x0  }
0x10: {  	[sflag:s19] =	ssyncadd.s32 $0xFFFFCE00  }
0x11: {  	_ =	swait.ge [sflag:s20], $0x3200  }
0x12: {  	[sflag:s20] =	ssyncset.done $0x0  }
0x13: {  	s23 =	sadd.s32 $0x1, s23;
	[sflag:s20] =	ssyncadd.s32 $0xFFFFCE00  }
0x14: {  	p0 =	sne.s32 s23, s7;
	_ =	swait.ge [sflag:s21], $0x3200  }
.Ltmp1:
0x15: {  	[sflag:s21] =	ssyncset.done $0x0;
	(pc) =	sbr.rel @!p0 .LBB2_13-.Ltmp1, $4  }
0x16: {  	[sflag:s21] =	ssyncadd.s32 $0xFFFFCE00  }
0x17: {  	_ =	swait.ge [sflag:s22], $0x3200  }
0x18: {  	[sflag:s22] =	ssyncset.done $0x0  }
0x19: {  	[sflag:s22] =	ssyncadd.s32 $0xFFFFCE00  }
.LBB2_1:
0x1a: {  	[tilespmem:s3], [sflag:$0x9] =	stream.linear.gather [hbm4b:s6+s3], $0x6400, $0x38;
	[tilespmem:$0x12C00] =	vst v63  }
0x1b: {  	_ =	swait.ge [sflag:s8], $0x6400  }
0x1c: {  	[sflag:s8] =	ssyncset.done $0x0  }
0x1d: {  	[sflag:s8] =	ssyncadd.s32 $0xFFFF9C00  }
0x1e: {  	[tilespmem:s10], [sflag:$0x1] =	stream.indirect.gather [hbm4b:s5+s9], $0x40, s3, s9, $0xb8;
	[tilespmem:$0x12C00] =	vst v63  }
0x1f: {  	_ = 	snop  }
0x20: {  	[tilespmem:s11], [sflag:$0x2] =	stream.indirect.gather [hbm4b:s5+s9], $0x40, s9, s9, $0xb8;
	[tilespmem:$0x12C00] =	vst v63  }
0x21: {  	s24 =	simm.s32 $0x0  }
0x22: {  	[tilespmem:s13], [sflag:$0x3] =	stream.indirect.gather [hbm4b:s5+s9], $0x40, s12, s9, $0xb8;
	[tilespmem:$0x12C00] =	vst v63  }
.LBB2_2:
0x23: {  	_ =	swait.ge [sflag:s14], $0x3200  }
0x24: {  	[sflag:s14] =	ssyncset.done $0x0  }
0x25: {  	s25 =	simm.s32 $0x6480;
	[sflag:s14] =	ssyncadd.s32 $0xFFFFCE00  }
0x26: {  	v0 =	vld [tilespmem:s25+$0x70]  }
0x27: {  	v1 =	vld [tilespmem:s25+$0xFFFFFF90]  }
0x28: {  	v2 =	vld [tilespmem:s25+$0xFFFFFFA0]  }
0x29: {  	v3 =	vld [tilespmem:s25+$0xFFFFFFB0]  }
0x2a: {  	v4 =	vld [tilespmem:s25+$0xFFFFFFC0]  }
0x2b: {  	v5 =	vld [tilespmem:s25+$0xFFFFFFD0];
	v0 =	vmul.f32 $8.000000000e+00, v0  }
0x2c: {  	v6 =	vld [tilespmem:s25+$0xFFFFFFE0];
	v1 =	vmul.f32 $8.000000000e+00, v1  }
0x2d: {  	v7 =	vld [tilespmem:s25+$0xFFFFFFF0];
	v2 =	vmul.f32 $8.000000000e+00, v2;
	[tilespmem:s25+$0x70] =	vst v0  }
0x2e: {  	[tilespmem:s25+$0xFFFFFF90] =	vst v1;
	v0 =	vmul.f32 $8.000000000e+00, v3;
	v3 =	vld [tilespmem:s25+$0x0]  }
0x2f: {  	v8 =	vld [tilespmem:s25+$0x10];
	[tilespmem:s25+$0xFFFFFFA0] =	vst v2;
	v1 =	vmul.f32 $8.000000000e+00, v4  }
0x30: {  	v9 =	vld [tilespmem:s25+$0x20];
	v2 =	vmul.f32 $8.000000000e+00, v5;
	[tilespmem:s25+$0xFFFFFFB0] =	vst v0  }
0x31: {  	v4 =	vmul.f32 $8.000000000e+00, v6;
	[tilespmem:s25+$0xFFFFFFC0] =	vst v1;
	v0 =	vld [tilespmem:s25+$0x30]  }
0x32: {  	[tilespmem:s25+$0xFFFFFFD0] =	vst v2;
	v2 =	vmul.f32 $8.000000000e+00, v7;
	v1 =	vld [tilespmem:s25+$0x40]  }
0x33: {  	[tilespmem:s25+$0xFFFFFFE0] =	vst v4;
	v4 =	vld [tilespmem:s25+$0x50];
	v6 =	vmul.f32 $8.000000000e+00, v3  }
0x34: {  	v5 =	vmul.f32 $8.000000000e+00, v8;
	[tilespmem:s25+$0xFFFFFFF0] =	vst v2;
	v2 =	vld [tilespmem:s25+$0x60]  }
0x35: {  	s26 =	simm.s32 $0x0;
	s28 =	simm.s32 $0x6580;
	v3 =	vld [tilespmem:s25+$0xFFFFFF80];
	[tilespmem:s25+$0x0] =	vst v6;
	v6 =	vmul.f32 $8.000000000e+00, v9  }
.LBB2_3:
0x36: {  	v7 =	vld [tilespmem:s28+$0x70];
	s26 =	sadd.s32 $0x4, s26;
	[tilespmem:s25+$0x10] =	vst v5;
	v0 =	vmul.f32 $8.000000000e+00, v0  }
0x37: {  	v5 =	vld [tilespmem:s28+$0xFFFFFF90];
	p0 =	slt.u32 s26, $0xC4;
	[tilespmem:s25+$0x20] =	vst v6;
	v1 =	vmul.f32 $8.000000000e+00, v1  }
0x38: {  	v6 =	vld [tilespmem:s28+$0xFFFFFFA0];
	[tilespmem:s25+$0x30] =	vst v0;
	v0 =	vmul.f32 $8.000000000e+00, v4  }
0x39: {  	v4 =	vld [tilespmem:s28+$0xFFFFFFB0];
	[tilespmem:s25+$0x40] =	vst v1;
	v1 =	vmul.f32 $8.000000000e+00, v2  }
0x3a: {  	v2 =	vld [tilespmem:s28+$0xFFFFFFC0];
	v3 =	vmul.f32 $8.000000000e+00, v3;
	[tilespmem:s25+$0x50] =	vst v0  }
0x3b: {  	v0 =	vld [tilespmem:s28+$0xFFFFFFD0];
	v7 =	vmul.f32 $8.000000000e+00, v7;
	[tilespmem:s25+$0x60] =	vst v1  }
0x3c: {  	v1 =	vmul.f32 $8.000000000e+00, v5;
	v5 =	vld [tilespmem:s28+$0xFFFFFFE0];
	[tilespmem:s25+$0xFFFFFF80] =	vst v3;
	s25 =	smov.u32 s28  }
0x3d: {  	v3 =	vmul.f32 $8.000000000e+00, v6;
	v6 =	vld [tilespmem:s28+$0xFFFFFFF0];
	[tilespmem:s28+$0x70] =	vst v7  }
0x3e: {  	[tilespmem:s28+$0xFFFFFF90] =	vst v1;
	v1 =	vmul.f32 $8.000000000e+00, v4;
	v4 =	vld [tilespmem:s28+$0x0]  }
0x3f: {  	[tilespmem:s28+$0xFFFFFFA0] =	vst v3;
	v2 =	vmul.f32 $8.000000000e+00, v2;
	v3 =	vld [tilespmem:s28+$0x10]  }
0x40: {  	[tilespmem:s28+$0xFFFFFFB0] =	vst v1;
	v1 =	vmul.f32 $8.000000000e+00, v0;
	v7 =	vld [tilespmem:s28+$0x20]  }
.Ltmp2:
0x41: {  	[tilespmem:s28+$0xFFFFFFC0] =	vst v2;
	v2 =	vmul.f32 $8.000000000e+00, v5;
	v0 =	vld [tilespmem:s28+$0x30];
	(pc) =	sbr.rel @p0 .LBB2_3-.Ltmp2, $4  }
0x42: {  	[tilespmem:s28+$0xFFFFFFD0] =	vst v1;
	v5 =	vmul.f32 $8.000000000e+00, v6;
	v1 =	vld [tilespmem:s28+$0x40]  }
0x43: {  	[tilespmem:s28+$0xFFFFFFE0] =	vst v2;
	v6 =	vmul.f32 $8.000000000e+00, v4;
	v4 =	vld [tilespmem:s28+$0x50]  }
0x44: {  	[tilespmem:s28+$0xFFFFFFF0] =	vst v5;
	v5 =	vmul.f32 $8.000000000e+00, v3;
	v2 =	vld [tilespmem:s28+$0x60]  }
0x45: {  	s28 =	sadd.s32 $0x100, s28;
	v3 =	vld [tilespmem:s25+$0xFFFFFF80];
	[tilespmem:s25+$0x0] =	vst v6;
	v6 =	vmul.f32 $8.000000000e+00, v7  }
0x46: {  	[tilespmem:s25+$0x10] =	vst v5;
	v0 =	vmul.f32 $8.000000000e+00, v0  }
0x47: {  	[tilespmem:s25+$0x20] =	vst v6;
	v1 =	vmul.f32 $8.000000000e+00, v1  }
0x48: {  	s26 =	sshll.u32 s24, $0x2;
	[tilespmem:s25+$0x30] =	vst v0;
	v0 =	vmul.f32 $8.000000000e+00, v4  }
0x49: {  	s28 =	sadd.s32 s4, s26;
	[tilespmem:s25+$0x40] =	vst v1;
	v1 =	vmul.f32 $8.000000000e+00, v2  }
0x4a: {  	s28 =	smul.u32 $0x640, s28;
	v2 =	vmul.f32 $8.000000000e+00, v3;
	[tilespmem:s25+$0x50] =	vst v0  }
0x4b: {  	p0 =	seq.s32 s24, $0x0;
	[tilespmem:s25+$0x60] =	vst v1  }
0x4c: {  	s31 =	sadd.s32 s2, s28;
	s28 =	simm.s32 @!p0 $0x8;
	[tilespmem:s25+$0xFFFFFF80] =	vst v2;
	s25 =	sshllo.u32 s24, $0x2  }
0x4d: {  	[hbm4b:s31+s3] =	stream.linear.scatter [tilespmem:s10], [sflag:$0x5], $0x3200, $0x38;
	[tilespmem:$0x12C00] =	vst v63  }
0x4e: {  	s29 =	smul.u32 $0x320, s25;
	_ =	swait.ge @!p0 [sflag:s28], $0x3200  }
0x4f: {  	[sflag:s28] =	ssyncset.done @!p0 $0x0  }
0x50: {  	[sflag:s28] =	ssyncadd.s32 @!p0 $0xFFFFCE00;
	s28 =	sshra.s32 s29, $0x2  }
0x51: {  	[tilespmem:s15], [sflag:$0x4] =	stream.indirect.gather [hbm4b:s5+s9], $0x40, s28, s9, $0xb8;
	[tilespmem:$0x12C00] =	vst v63  }
0x52: {  	_ =	swait.ge [sflag:s16], $0x3200  }
0x53: {  	[sflag:s16] =	ssyncset.done $0x0  }
0x54: {  	s28 =	simm.s32 $0x96F0;
	[sflag:s16] =	ssyncadd.s32 $0xFFFFCE00  }
0x55: {  	v0 =	vld [tilespmem:s28+$0x0]  }
0x56: {  	v1 =	vld [tilespmem:s28+$0xFFFFFF20]  }
0x57: {  	v2 =	vld [tilespmem:s28+$0xFFFFFF30]  }
0x58: {  	v3 =	vld [tilespmem:s28+$0xFFFFFF40]  }
0x59: {  	v4 =	vld [tilespmem:s28+$0xFFFFFF50]  }
0x5a: {  	v5 =	vld [tilespmem:s28+$0xFFFFFF60];
	v0 =	vmul.f32 $8.000000000e+00, v0  }
0x5b: {  	v6 =	vld [tilespmem:s28+$0xFFFFFF70];
	v1 =	vmul.f32 $8.000000000e+00, v1  }
0x5c: {  	v7 =	vld [tilespmem:s28+$0xFFFFFF80];
	v2 =	vmul.f32 $8.000000000e+00, v2;
	[tilespmem:s28+$0x0] =	vst v0  }
0x5d: {  	[tilespmem:s28+$0xFFFFFF20] =	vst v1;
	v0 =	vmul.f32 $8.000000000e+00, v3;
	v3 =	vld [tilespmem:s28+$0xFFFFFF90]  }
0x5e: {  	v8 =	vld [tilespmem:s28+$0xFFFFFFA0];
	[tilespmem:s28+$0xFFFFFF30] =	vst v2;
	v1 =	vmul.f32 $8.000000000e+00, v4  }
0x5f: {  	v9 =	vld [tilespmem:s28+$0xFFFFFFB0];
	v2 =	vmul.f32 $8.000000000e+00, v5;
	[tilespmem:s28+$0xFFFFFF40] =	vst v0  }
0x60: {  	v4 =	vmul.f32 $8.000000000e+00, v6;
	[tilespmem:s28+$0xFFFFFF50] =	vst v1;
	v0 =	vld [tilespmem:s28+$0xFFFFFFC0]  }
0x61: {  	[tilespmem:s28+$0xFFFFFF60] =	vst v2;
	v2 =	vmul.f32 $8.000000000e+00, v7;
	v1 =	vld [tilespmem:s28+$0xFFFFFFD0]  }
0x62: {  	[tilespmem:s28+$0xFFFFFF70] =	vst v4;
	v4 =	vld [tilespmem:s28+$0xFFFFFFE0];
	v6 =	vmul.f32 $8.000000000e+00, v3  }
0x63: {  	v5 =	vmul.f32 $8.000000000e+00, v8;
	[tilespmem:s28+$0xFFFFFF80] =	vst v2;
	v2 =	vld [tilespmem:s28+$0xFFFFFFF0]  }
0x64: {  	s30 =	simm.s32 $0x97F0;
	s29 =	simm.s32 $0x0;
	v3 =	vld [tilespmem:s28+$0xFFFFFF10];
	[tilespmem:s28+$0xFFFFFF90] =	vst v6;
	v6 =	vmul.f32 $8.000000000e+00, v9  }
.LBB2_5:
0x65: {  	v7 =	vld [tilespmem:s30+$0x0];
	s29 =	sadd.s32 $0x4, s29;
	[tilespmem:s28+$0xFFFFFFA0] =	vst v5;
	v0 =	vmul.f32 $8.000000000e+00, v0  }
0x66: {  	v5 =	vld [tilespmem:s30+$0xFFFFFF20];
	p0 =	slt.u32 s29, $0xC4;
	[tilespmem:s28+$0xFFFFFFB0] =	vst v6;
	v1 =	vmul.f32 $8.000000000e+00, v1  }
0x67: {  	v6 =	vld [tilespmem:s30+$0xFFFFFF30];
	[tilespmem:s28+$0xFFFFFFC0] =	vst v0;
	v0 =	vmul.f32 $8.000000000e+00, v4  }
0x68: {  	v4 =	vld [tilespmem:s30+$0xFFFFFF40];
	[tilespmem:s28+$0xFFFFFFD0] =	vst v1;
	v1 =	vmul.f32 $8.000000000e+00, v2  }
0x69: {  	v2 =	vld [tilespmem:s30+$0xFFFFFF50];
	v3 =	vmul.f32 $8.000000000e+00, v3;
	[tilespmem:s28+$0xFFFFFFE0] =	vst v0  }
0x6a: {  	v0 =	vld [tilespmem:s30+$0xFFFFFF60];
	v7 =	vmul.f32 $8.000000000e+00, v7;
	[tilespmem:s28+$0xFFFFFFF0] =	vst v1  }
0x6b: {  	v1 =	vmul.f32 $8.000000000e+00, v5;
	v5 =	vld [tilespmem:s30+$0xFFFFFF70];
	[tilespmem:s28+$0xFFFFFF10] =	vst v3;
	s28 =	smov.u32 s30  }
0x6c: {  	v3 =	vmul.f32 $8.000000000e+00, v6;
	v6 =	vld [tilespmem:s30+$0xFFFFFF80];
	[tilespmem:s30+$0x0] =	vst v7  }
0x6d: {  	[tilespmem:s30+$0xFFFFFF20] =	vst v1;
	v1 =	vmul.f32 $8.000000000e+00, v4;
	v4 =	vld [tilespmem:s30+$0xFFFFFF90]  }
0x6e: {  	[tilespmem:s30+$0xFFFFFF30] =	vst v3;
	v2 =	vmul.f32 $8.000000000e+00, v2;
	v3 =	vld [tilespmem:s30+$0xFFFFFFA0]  }
0x6f: {  	[tilespmem:s30+$0xFFFFFF40] =	vst v1;
	v1 =	vmul.f32 $8.000000000e+00, v0;
	v7 =	vld [tilespmem:s30+$0xFFFFFFB0]  }
.Ltmp3:
0x70: {  	[tilespmem:s30+$0xFFFFFF50] =	vst v2;
	v2 =	vmul.f32 $8.000000000e+00, v5;
	v0 =	vld [tilespmem:s30+$0xFFFFFFC0];
	(pc) =	sbr.rel @p0 .LBB2_5-.Ltmp3, $4  }
0x71: {  	[tilespmem:s30+$0xFFFFFF60] =	vst v1;
	v5 =	vmul.f32 $8.000000000e+00, v6;
	v1 =	vld [tilespmem:s30+$0xFFFFFFD0]  }
0x72: {  	[tilespmem:s30+$0xFFFFFF70] =	vst v2;
	v6 =	vmul.f32 $8.000000000e+00, v4;
	v4 =	vld [tilespmem:s30+$0xFFFFFFE0]  }
0x73: {  	[tilespmem:s30+$0xFFFFFF80] =	vst v5;
	v5 =	vmul.f32 $8.000000000e+00, v3;
	v2 =	vld [tilespmem:s30+$0xFFFFFFF0]  }
0x74: {  	s30 =	sadd.s32 $0x100, s30;
	v3 =	vld [tilespmem:s28+$0xFFFFFF10];
	[tilespmem:s28+$0xFFFFFF90] =	vst v6;
	v6 =	vmul.f32 $8.000000000e+00, v7  }
0x75: {  	[tilespmem:s28+$0xFFFFFFA0] =	vst v5;
	v0 =	vmul.f32 $8.000000000e+00, v0  }
0x76: {  	[tilespmem:s28+$0xFFFFFFB0] =	vst v6;
	v1 =	vmul.f32 $8.000000000e+00, v1  }
0x77: {  	s26 =	sadd.s32 s26, s4;
	[tilespmem:s28+$0xFFFFFFC0] =	vst v0;
	v0 =	vmul.f32 $8.000000000e+00, v4  }
0x78: {  	s26 =	smul.u32 $0x640, s26;
	[tilespmem:s28+$0xFFFFFFD0] =	vst v1;
	v1 =	vmul.f32 $8.000000000e+00, v2  }
0x79: {  	v2 =	vmul.f32 $8.000000000e+00, v3;
	[tilespmem:s28+$0xFFFFFFE0] =	vst v0  }
0x7a: {  	s26 =	sadd.s32 s2, s26;
	[tilespmem:s28+$0xFFFFFFF0] =	vst v1  }
0x7b: {  	p0 =	seq.s32 s24, $0x1F;
	[tilespmem:s28+$0xFFFFFF10] =	vst v2;
	s28 =	sadd.s32 $0x640, s26  }
0x7c: {  	[hbm4b:s28+s3] =	stream.linear.scatter [tilespmem:s11], [sflag:$0x6], $0x3200, $0x38;
	[tilespmem:$0x12C00] =	vst v63  }
0x7d: {  	s28 =	simm.s32 @!p0 $0x5  }
0x7e: {  	s29 =	smul.u32 @!p0 $0xC80, s24;
	_ =	swait.ge @!p0 [sflag:s28], $0x3200  }
0x7f: {  	[sflag:s28] =	ssyncset.done @!p0 $0x0  }
0x80: {  	[sflag:s28] =	ssyncadd.s32 @!p0 $0xFFFFCE00;
	s28 =	sshra.s32 @!p0 s29, $0x2  }
0x81: {  	s30 =	simm.s32 @!p0 $0xC8;
	s31 =	simm.s32 @!p0 $0x6400;
	s29 =	sadd.s32 @!p0 $0x320, s28  }
0x82: {  	[tilespmem:s31], [sflag:$0x1] =	stream.indirect.gather @!p0 [hbm4b:s5+s30], $0x40, s29, s30, $0xb8;
	[tilespmem:$0x12C00] =	vst v63  }
0x83: {  	_ =	swait.ge [sflag:s17], $0x3200  }
0x84: {  	[sflag:s17] =	ssyncset.done $0x0  }
0x85: {  	s29 =	simm.s32 $0xC800;
	[sflag:s17] =	ssyncadd.s32 $0xFFFFCE00  }
0x86: {  	v0 =	vld [tilespmem:s29+$0xF0]  }
0x87: {  	v1 =	vld [tilespmem:s29+$0x10]  }
0x88: {  	v2 =	vld [tilespmem:s29+$0x20]  }
0x89: {  	v3 =	vld [tilespmem:s29+$0x30]  }
0x8a: {  	v4 =	vld [tilespmem:s29+$0x40]  }
0x8b: {  	v5 =	vld [tilespmem:s29+$0x50];
	v0 =	vmul.f32 $8.000000000e+00, v0  }
0x8c: {  	v6 =	vld [tilespmem:s29+$0x60];
	v1 =	vmul.f32 $8.000000000e+00, v1  }
0x8d: {  	v7 =	vld [tilespmem:s29+$0x70];
	v2 =	vmul.f32 $8.000000000e+00, v2;
	[tilespmem:s29+$0xF0] =	vst v0  }
0x8e: {  	[tilespmem:s29+$0x10] =	vst v1;
	v0 =	vmul.f32 $8.000000000e+00, v3;
	v3 =	vld [tilespmem:s29+$0x80]  }
0x8f: {  	[tilespmem:s29+$0x20] =	vst v2;
	v1 =	vmul.f32 $8.000000000e+00, v4;
	v4 =	vld [tilespmem:s29+$0x90]  }
0x90: {  	v8 =	vld [tilespmem:s29+$0xA0];
	v2 =	vmul.f32 $8.000000000e+00, v5;
	[tilespmem:s29+$0x30] =	vst v0  }
0x91: {  	v5 =	vmul.f32 $8.000000000e+00, v6;
	[tilespmem:s29+$0x40] =	vst v1;
	v0 =	vld [tilespmem:s29+$0xB0]  }
0x92: {  	v6 =	vmul.f32 $8.000000000e+00, v7;
	[tilespmem:s29+$0x50] =	vst v2;
	v1 =	vld [tilespmem:s29+$0xC0]  }
0x93: {  	[tilespmem:s29+$0x60] =	vst v5;
	v2 =	vld [tilespmem:s29+$0xD0];
	v7 =	vmul.f32 $8.000000000e+00, v3  }
0x94: {  	[tilespmem:s29+$0x70] =	vst v6;
	v3 =	vld [tilespmem:s29+$0xE0];
	v5 =	vmul.f32 $8.000000000e+00, v4  }
0x95: {  	s30 =	simm.s32 $0x0;
	s31 =	simm.s32 $0xC900;
	v6 =	vmul.f32 $8.000000000e+00, v8;
	v4 =	vld [tilespmem:s29+$0x0];
	[tilespmem:s29+$0x80] =	vst v7  }
.LBB2_7:
0x96: {  	v7 =	vld [tilespmem:s31+$0xF0];
	s30 =	sadd.s32 $0x4, s30;
	[tilespmem:s29+$0x90] =	vst v5;
	v0 =	vmul.f32 $8.000000000e+00, v0  }
0x97: {  	v5 =	vld [tilespmem:s31+$0x10];
	p1 =	slt.u32 s30, $0xC4;
	[tilespmem:s29+$0xA0] =	vst v6;
	v1 =	vmul.f32 $8.000000000e+00, v1  }
0x98: {  	v6 =	vld [tilespmem:s31+$0x20];
	[tilespmem:s29+$0xB0] =	vst v0;
	v0 =	vmul.f32 $8.000000000e+00, v2  }
0x99: {  	v2 =	vld [tilespmem:s31+$0x30];
	[tilespmem:s29+$0xC0] =	vst v1;
	v1 =	vmul.f32 $8.000000000e+00, v3  }
0x9a: {  	v3 =	vld [tilespmem:s31+$0x40];
	v4 =	vmul.f32 $8.000000000e+00, v4;
	[tilespmem:s29+$0xD0] =	vst v0  }
0x9b: {  	v0 =	vld [tilespmem:s31+$0x50];
	v7 =	vmul.f32 $8.000000000e+00, v7;
	[tilespmem:s29+$0xE0] =	vst v1  }
0x9c: {  	v1 =	vmul.f32 $8.000000000e+00, v5;
	v5 =	vld [tilespmem:s31+$0x60];
	[tilespmem:s29+$0x0] =	vst v4;
	s29 =	smov.u32 s31  }
0x9d: {  	v4 =	vmul.f32 $8.000000000e+00, v6;
	v6 =	vld [tilespmem:s31+$0x70];
	[tilespmem:s31+$0xF0] =	vst v7  }
0x9e: {  	[tilespmem:s31+$0x10] =	vst v1;
	v1 =	vmul.f32 $8.000000000e+00, v2;
	v2 =	vld [tilespmem:s31+$0x80]  }
0x9f: {  	[tilespmem:s31+$0x20] =	vst v4;
	v3 =	vmul.f32 $8.000000000e+00, v3;
	v4 =	vld [tilespmem:s31+$0x90]  }
0xa0: {  	[tilespmem:s31+$0x30] =	vst v1;
	v1 =	vmul.f32 $8.000000000e+00, v0;
	v7 =	vld [tilespmem:s31+$0xA0]  }
.Ltmp4:
0xa1: {  	[tilespmem:s31+$0x40] =	vst v3;
	v3 =	vmul.f32 $8.000000000e+00, v5;
	v0 =	vld [tilespmem:s31+$0xB0];
	(pc) =	sbr.rel @p1 .LBB2_7-.Ltmp4, $4  }
0xa2: {  	[tilespmem:s31+$0x50] =	vst v1;
	v5 =	vmul.f32 $8.000000000e+00, v6;
	v1 =	vld [tilespmem:s31+$0xC0]  }
0xa3: {  	[tilespmem:s31+$0x60] =	vst v3;
	v6 =	vmul.f32 $8.000000000e+00, v2;
	v2 =	vld [tilespmem:s31+$0xD0]  }
0xa4: {  	[tilespmem:s31+$0x70] =	vst v5;
	v5 =	vmul.f32 $8.000000000e+00, v4;
	v3 =	vld [tilespmem:s31+$0xE0]  }
0xa5: {  	s31 =	sadd.s32 $0x100, s31;
	v4 =	vld [tilespmem:s29+$0x0];
	[tilespmem:s29+$0x80] =	vst v6;
	v6 =	vmul.f32 $8.000000000e+00, v7  }
0xa6: {  	[tilespmem:s29+$0x90] =	vst v5;
	v0 =	vmul.f32 $8.000000000e+00, v0  }
0xa7: {  	[tilespmem:s29+$0xA0] =	vst v6;
	v1 =	vmul.f32 $8.000000000e+00, v1  }
0xa8: {  	[tilespmem:s29+$0xB0] =	vst v0;
	v0 =	vmul.f32 $8.000000000e+00, v2  }
0xa9: {  	[tilespmem:s29+$0xC0] =	vst v1;
	v1 =	vmul.f32 $8.000000000e+00, v3  }
0xaa: {  	v2 =	vmul.f32 $8.000000000e+00, v4;
	[tilespmem:s29+$0xD0] =	vst v0  }
0xab: {  	[tilespmem:s29+$0xE0] =	vst v1  }
0xac: {  	s26 =	sadd.s32 $0xC80, s26;
	[tilespmem:s29+$0x0] =	vst v2  }
0xad: {  	[hbm4b:s26+s3] =	stream.linear.scatter [tilespmem:s13], [sflag:$0x7], $0x3200, $0x38;
	[tilespmem:$0x12C00] =	vst v63  }
0xae: {  	s26 =	simm.s32 @!p0 $0x6  }
0xaf: {  	_ =	swait.ge @!p0 [sflag:s26], $0x3200  }
0xb0: {  	s29 =	simm.s32 @!p0 $0x9600;
	[sflag:s26] =	ssyncset.done @!p0 $0x0  }
0xb1: {  	[sflag:s26] =	ssyncadd.s32 @!p0 $0xFFFFCE00;
	s26 =	sadd.s32 @!p0 $0x3E8, s28;
	s28 =	simm.s32 @!p0 $0xC8  }
0xb2: {  	[tilespmem:s29], [sflag:$0x2] =	stream.indirect.gather @!p0 [hbm4b:s5+s28], $0x40, s26, s28, $0xb8;
	[tilespmem:$0x12C00] =	vst v63  }
0xb3: {  	_ =	swait.ge [sflag:s18], $0x3200  }
0xb4: {  	[sflag:s18] =	ssyncset.done $0x0  }
0xb5: {  	s26 =	simm.s32 $0xFA00;
	[sflag:s18] =	ssyncadd.s32 $0xFFFFCE00  }
0xb6: {  	v0 =	vld [tilespmem:s26+$0xF0]  }
0xb7: {  	v1 =	vld [tilespmem:s26+$0x10]  }
0xb8: {  	v2 =	vld [tilespmem:s26+$0x20]  }
0xb9: {  	v3 =	vld [tilespmem:s26+$0x30]  }
0xba: {  	v4 =	vld [tilespmem:s26+$0x40]  }
0xbb: {  	v5 =	vld [tilespmem:s26+$0x50];
	v0 =	vmul.f32 $8.000000000e+00, v0  }
0xbc: {  	v6 =	vld [tilespmem:s26+$0x60];
	v1 =	vmul.f32 $8.000000000e+00, v1  }
0xbd: {  	v7 =	vld [tilespmem:s26+$0x70];
	v2 =	vmul.f32 $8.000000000e+00, v2;
	[tilespmem:s26+$0xF0] =	vst v0  }
0xbe: {  	[tilespmem:s26+$0x10] =	vst v1;
	v0 =	vmul.f32 $8.000000000e+00, v3;
	v3 =	vld [tilespmem:s26+$0x80]  }
0xbf: {  	[tilespmem:s26+$0x20] =	vst v2;
	v1 =	vmul.f32 $8.000000000e+00, v4;
	v4 =	vld [tilespmem:s26+$0x90]  }
0xc0: {  	v8 =	vld [tilespmem:s26+$0xA0];
	v2 =	vmul.f32 $8.000000000e+00, v5;
	[tilespmem:s26+$0x30] =	vst v0  }
0xc1: {  	v5 =	vmul.f32 $8.000000000e+00, v6;
	[tilespmem:s26+$0x40] =	vst v1;
	v0 =	vld [tilespmem:s26+$0xB0]  }
0xc2: {  	v6 =	vmul.f32 $8.000000000e+00, v7;
	[tilespmem:s26+$0x50] =	vst v2;
	v1 =	vld [tilespmem:s26+$0xC0]  }
0xc3: {  	[tilespmem:s26+$0x60] =	vst v5;
	v2 =	vld [tilespmem:s26+$0xD0];
	v7 =	vmul.f32 $8.000000000e+00, v3  }
0xc4: {  	[tilespmem:s26+$0x70] =	vst v6;
	v3 =	vld [tilespmem:s26+$0xE0];
	v5 =	vmul.f32 $8.000000000e+00, v4  }
0xc5: {  	s28 =	simm.s32 $0x0;
	s29 =	simm.s32 $0xFB00;
	v6 =	vmul.f32 $8.000000000e+00, v8;
	v4 =	vld [tilespmem:s26+$0x0];
	[tilespmem:s26+$0x80] =	vst v7  }
.LBB2_9:
0xc6: {  	v7 =	vld [tilespmem:s29+$0xF0];
	s28 =	sadd.s32 $0x4, s28;
	[tilespmem:s26+$0x90] =	vst v5;
	v0 =	vmul.f32 $8.000000000e+00, v0  }
0xc7: {  	v5 =	vld [tilespmem:s29+$0x10];
	p1 =	slt.u32 s28, $0xC4;
	[tilespmem:s26+$0xA0] =	vst v6;
	v1 =	vmul.f32 $8.000000000e+00, v1  }
0xc8: {  	v6 =	vld [tilespmem:s29+$0x20];
	[tilespmem:s26+$0xB0] =	vst v0;
	v0 =	vmul.f32 $8.000000000e+00, v2  }
0xc9: {  	v2 =	vld [tilespmem:s29+$0x30];
	[tilespmem:s26+$0xC0] =	vst v1;
	v1 =	vmul.f32 $8.000000000e+00, v3  }
0xca: {  	v3 =	vld [tilespmem:s29+$0x40];
	v4 =	vmul.f32 $8.000000000e+00, v4;
	[tilespmem:s26+$0xD0] =	vst v0  }
0xcb: {  	v0 =	vld [tilespmem:s29+$0x50];
	v7 =	vmul.f32 $8.000000000e+00, v7;
	[tilespmem:s26+$0xE0] =	vst v1  }
0xcc: {  	v1 =	vmul.f32 $8.000000000e+00, v5;
	v5 =	vld [tilespmem:s29+$0x60];
	[tilespmem:s26+$0x0] =	vst v4;
	s26 =	smov.u32 s29  }
0xcd: {  	v4 =	vmul.f32 $8.000000000e+00, v6;
	v6 =	vld [tilespmem:s29+$0x70];
	[tilespmem:s29+$0xF0] =	vst v7  }
0xce: {  	[tilespmem:s29+$0x10] =	vst v1;
	v1 =	vmul.f32 $8.000000000e+00, v2;
	v2 =	vld [tilespmem:s29+$0x80]  }
0xcf: {  	[tilespmem:s29+$0x20] =	vst v4;
	v3 =	vmul.f32 $8.000000000e+00, v3;
	v4 =	vld [tilespmem:s29+$0x90]  }
0xd0: {  	[tilespmem:s29+$0x30] =	vst v1;
	v1 =	vmul.f32 $8.000000000e+00, v0;
	v7 =	vld [tilespmem:s29+$0xA0]  }
.Ltmp5:
0xd1: {  	[tilespmem:s29+$0x40] =	vst v3;
	v3 =	vmul.f32 $8.000000000e+00, v5;
	v0 =	vld [tilespmem:s29+$0xB0];
	(pc) =	sbr.rel @p1 .LBB2_9-.Ltmp5, $4  }
0xd2: {  	[tilespmem:s29+$0x50] =	vst v1;
	v5 =	vmul.f32 $8.000000000e+00, v6;
	v1 =	vld [tilespmem:s29+$0xC0]  }
0xd3: {  	[tilespmem:s29+$0x60] =	vst v3;
	v6 =	vmul.f32 $8.000000000e+00, v2;
	v2 =	vld [tilespmem:s29+$0xD0]  }
0xd4: {  	[tilespmem:s29+$0x70] =	vst v5;
	v5 =	vmul.f32 $8.000000000e+00, v4;
	v3 =	vld [tilespmem:s29+$0xE0]  }
0xd5: {  	s29 =	sadd.s32 $0x100, s29;
	v4 =	vld [tilespmem:s26+$0x0];
	[tilespmem:s26+$0x80] =	vst v6;
	v6 =	vmul.f32 $8.000000000e+00, v7  }
0xd6: {  	[tilespmem:s26+$0x90] =	vst v5;
	v0 =	vmul.f32 $8.000000000e+00, v0  }
0xd7: {  	[tilespmem:s26+$0xA0] =	vst v6;
	v1 =	vmul.f32 $8.000000000e+00, v1  }
0xd8: {  	[tilespmem:s26+$0xB0] =	vst v0;
	v61 =	vmul.f32 $8.000000000e+00, v2  }
.Ltmp6:
0xd9: {  	s25 =	sadd.s32 s4, s25;
	[tilespmem:s26+$0xC0] =	vst v1;
	v62 =	vmul.f32 $8.000000000e+00, v3;
	(pc) =	sbr.rel @p0 .LBB2_12-.Ltmp6, $4  }
0xda: {  	s25 =	smul.u32 $0x640, s25;
	v63 =	vmul.f32 $8.000000000e+00, v4;
	[tilespmem:s26+$0xD0] =	vst v61  }
0xdb: {  	[tilespmem:s26+$0xE0] =	vst v62  }
0xdc: {  	s25 =	sadd.s32 s2, s25;
	[tilespmem:s26+$0x0] =	vst v63  }
0xdd: {  	[hbm4b:s25+s3] =	stream.linear.scatter [tilespmem:s15], [sflag:$0x8], $0x3200, $0x38;
	[tilespmem:$0x12C00] =	vst v63  }
0xde: {  	s25 =	smul.u32 $0xC80, s24  }
.Ltmp7:
0xdf: {  	_ = 	snop;
	(pc) =	sbr.rel .LBB2_2-.Ltmp7, $4  }
0xe0: {  	_ =	swait.ge [sflag:s21], $0x3200  }
0xe1: {  	[sflag:s21] =	ssyncset.done $0x0;
	s25 =	sshra.s32 s25, $0x2  }
0xe2: {  	s24 =	sadd.s32 $0x1, s24;
	[sflag:s21] =	ssyncadd.s32 $0xFFFFCE00;
	s25 =	sadd.s32 $0x4B0, s25  }
0xe3: {  	[tilespmem:s13], [sflag:$0x3] =	stream.indirect.gather [hbm4b:s5+s9], $0x40, s25, s9, $0xb8;
	[tilespmem:$0x12C00] =	vst v63  }
.LBB2_13:
0xe4: {  	_ =	sfence.sel $0x180000  }
0xe5: {  	[bflag:$0x0] =	sbarrier.arrive $0xFFFF  }
0xe6: {  	p0 =	sne.s32 s0, $0x0;
	_ =	strace $0x90000047  }
0xe7: {  	s0 =	sadd.s32 @!p0 $0x100000, s1;
	[bflag:$0x2] =	sbarrier.arrive $0xFFFF  }
0xe8: {  	[sflag:s0] =	ssyncadd.tile.s32 @!p0 $0x1;
	_ =	shalt  }
.Lfunc_end2:
_tile_overlayer_lowered:
.L_overlay_start_2:
0xe9: {  	(tag) =	ssettag $0x2  }
0xea: {  	s0 =	rddreg [dreg:$0x0];
	s2 =	stileid.u32  }
0xeb: {  	s1 =	rddreg [dreg:$0x1];
	p0 =	sne.s32 s2, $0x0  }
0xec: {  	s3 =	rddreg [dreg:$0x2];
	[bflag:$0x3] =	sbarrier.arrive $0xFFFF;
	s2 =	simm.s32 @!p0 $0x1C09  }
0xed: {  	[timem:s3], [sflag:s2] =	dma.local @!p0 [hbm:s0], s1  }
0xee: {  	s0 =	simm.s32 @!p0 $0x9  }
0xef: {  	_ =	swait.ge @!p0 [sflag:s0], s1  }
0xf0: {  	s1 =	ssub.s32 @!p0 $0x0, s1;
	[sflag:s0] =	ssyncset.done @!p0 $0x0  }
0xf1: {  	[sflag:s0] =	ssyncadd.s32 @!p0 s1  }
0xf2: {  	[bflag:$0x3] =	sbarrier.arrive $0xFFFF  }
0xf3: {  	_ =	shalt  }

// kernel: sparse-core-data-format-call.cloned.1.call-start
scs
called_computation_lowered:
.L_overlay_start_0:
0x0: {  	s2 =	sld [smem:$0x3FD9]  }
0x1: {  	s3 =	sld [smem:$0x3FFE];
	_ =	sdelay $0x1  }
0x2: {  	s1 =	srdreg.scid  }
0x3: {  	s0 =	sand.u32 $0x1, s1  }
0x4: {  	s18 =	sshll.u32 s0, $0xA;
	s2 =	sadd.s32 s3, s2  }
0x5: {  	s2 =	sadd.s32 s2, s18  }
0x6: {  	[smem:$0x3FC6] =	sst s2  }
0x7: {  	_ = 	snop  }
0x8: {  	s2 =	sld [smem:$0x3FD0];
	(tm) =	ssettm $0x1  }
0x9: {  	s19 =	sld [smem:$0x3FFB];
	_ =	sdelay $0x3  }
0xa: {  	_ =	strace s19  }
0xb: {  	s3 =	sld [smem:$0x3FFC];
	_ =	sdelay $0x3  }
0xc: {  	_ =	strace s3  }
0xd: {  	s3 =	sld [smem:$0x3FFD];
	_ =	sdelay $0x3  }
0xe: {  	_ =	strace s3  }
0xf: {  	_ =	strace $0x8FFFFFFF  }
0x10: {  	s20 =	sld [smem:$0x3FDB];
	_ =	sdelay $0x1  }
0x11: {  	s4 =	simm.s32 $_scs_section_size  }
0x12: {  	s5 =	simm.s32 $_size__tile_overlayer_lowered;
	s6 =	simm.s32 $_tile_overlayer_lowered  }
0x13: {  	s23 =	simm.s32 $0x1BFF;
	s22 =	sshll.u32 s6, $0x1;
	s3 =	sadd.s32 s4, s20  }
0x14: {  	s7 =	simm.s32 $0x0;
	s21 =	sshll.u32 s5, $0x1;
	s5 =	sadd.s32 s22, s3  }
0x15: {  	[timem:s7], [sflag:s23] =	dma.local [hbm:s5], s21  }
0x16: {  	_ =	swait.ge [sflag:s23], s21  }
0x17: {  	s4 =	ssub.s32 $0x0, s21;
	[sflag:s23] =	ssyncset.done $0x0  }
0x18: {  	[sflag:s23] =	ssyncadd.s32 s4;
	_ =	sdelay $0x1  }
0x19: {  	s24 =	simm.s32 $0x1B8B  }
0x1a: {  	_ =	swait.ge [sflag:s24], $0x1  }
0x1b: {  	[sflag:s24] =	ssyncset.done $0x0  }
0x1c: {  	s26 =	simm.s32 $0x1B8E;
	s25 =	sld [smem:$0x3FFE];
	[sflag:s24] =	ssyncadd.s32 $0xFFFFFFFF  }
0x1d: {  	s27 =	simm.s32 $execute0_lowered;
	[smem:$0x3FD2] =	sst s26  }
0x1e: {  	s5 =	sshll.u32 s27, $0x1;
	_ =	strace $0x80000049;
	[dreg:$0x1] =	wrdreg $0xFFFFFFFF  }
0x1f: {  	s28 =	simm.s32 $_size_execute0_lowered;
	s3 =	sadd.s32 s3, s5;
	[dreg:$0x0] =	wrdreg $0x0  }
0x20: {  	s5 =	sshll.u32 s28, $0x1;
	[dreg:$0x2] =	wrdreg s3  }
0x21: {  	[dreg:$0x3] =	wrdreg s5  }
0x22: {  	[dreg:$0x4] =	wrdreg $0xC0  }
0x23: {  	_ =	task [dreg:s7], $0x5FFFF  }
0x24: {  	[dreg:$0x1] =	wrdreg $0xFFFFFFFF  }
0x25: {  	[dreg:$0x0] =	wrdreg $0x60  }
0x26: {  	[dreg:$0x2] =	wrdreg s25  }
0x27: {  	[dreg:$0x3] =	wrdreg s2  }
0x28: {  	[dreg:$0x4] =	wrdreg $0x9  }
0x29: {  	_ =	task.clear_ibuf [dreg:s7], $0x5FFFF;
	_ =	strace $0x90000049  }
0x2a: {  	s29 =	simm.s32 $0x9;
	_ =	strace $0x8000004B  }
0x2b: {  	_ =	swait.ge [sflag:s29], $0x1  }
0x2c: {  	[sflag:s29] =	ssyncadd.s32 $0xFFFFFFFF  }
0x2d: {  	_ =	strace $0x9000004B  }
0x2e: {  	_ =	sfence  }
0x2f: {  	s30 =	sld [smem:$0x0];
	_ =	sdelay $0x2  }
0x30: {  	s31 =	sshll.u32 s1, $0xD;
	s1 =	sshrl.u32 s1, $0x2  }
0x31: {  	s3 =	sand.u32 $0x4000, s31;
	s1 =	sadd.s32 s1, s30  }
0x32: {  	s0 =	sor.u32 s3, s0;
	s1 =	sshll.u32 s1, $0x11  }
0x33: {  	s0 =	sor.u32 s1, s0  }
0x34: {  	s0 =	sadd.s32 $0x8F2B, s0  }
0x35: {  	[sflag:s0] =	ssyncadd.remote.s32 $0x1  }
0x36: {  	_ =	sfence.sel $0xFFFF  }
0x37: {  	[dreg:$0x0] =	wrdreg $0xFFFFFFFF;
	(pc) =	sbr.abs _section_cstart, $3  }
0x38: {  	[dreg:$0x1] =	wrdreg $0xFFFFFFFF  }
0x39: {  	_ =	task.clear_ibuf [dreg:s7], $0x2FFFF;
	_ =	strace $0x9FFFFFFF  }
0x3a: {  	(tm) =	ssettm $0x7FFFFFFF  }
0x3b: {  	_ =	shalt  }
tec
execute0_lowered:
.L_overlay_start_1:
0x0: {  	(tag) =	ssettag $0x1  }
0x1: {  	s0 =	srdreg.scid  }
0x2: {  	s1 =	sshll.u32 s0, $0x4  }
0x3: {  	s0 =	stileid.u32;
	s1 =	sand.u32 $0x10, s1  }
0x4: {  	s1 =	sor.u32 s0, s1  }
0x5: {  	s6 =	rddreg [dreg:$0x0];
	s4 =	simm.s32 $0x1;
	s2 =	sshll.u32 s1, $0x7  }
0x6: {  	s7 =	simm.s32 $0x2;
	s12 =	simm.s32 $0x0;
	s1 =	ssub.s32 $0x1000, s2  }
0x7: {  	s8 =	simm.s32 $0x8000;
	s13 =	simm.s32 $0x0;
	s3 =	sand.u32 $0xF80, s1  }
0x8: {  	s9 =	simm.s32 $0x0;
	s5 =	sshrl.u32 s1, $0xC;
	p0 =	sne.s32 s3, $0x0  }
.Ltmp0:
0x9: {  	s1 =	rddreg [dreg:$0x2];
	s4 =	simm.s32 @!p0 $0x0;
	(pc) =	sbr.rel .LBB1_1-.Ltmp0, $4  }
0xa: {  	s11 =	simm.s32 $0x0;
	s3 =	rddreg [dreg:$0x1];
	s5 =	sadd.s32 s4, s5  }
0xb: {  	_ =	strace $0x8000004A;
	s4 =	simm.s32 $0x1;
	s5 =	smul.u32 $0xC8, s5  }
0xc: {  	s6 =	sadd.s32 $0xA00, s6;
	s10 =	smov.u32 s2;
	[sflag:s4] =	ssyncpa.u1 $0x0  }
0xd: {  	p0 =	por $0x0, $0x0;
	[sflag:s7] =	ssyncpa.u1 $0x0;
	s7 =	sor.u32 $0x1, s5  }
.LBB1_4:
0xe: {  	s16 =	sshll.u32 s13, $0x3;
	s17 =	sand.u32 $0x78, s13  }
0xf: {  	s30 =	sand.u32 $0x7E00, s13;
	s12 =	sshll.u32 s12, $0xF;
	s16 =	sand.u32 $0xC00, s16  }
0x10: {  	[tilespmem:s15+$0x810 ss:$0x81] =	vst.msk $0xffff, v2;
	s31 =	sand.u32 $0x7, s13;
	s16 =	sor.u32 s17, s16;
	s17 =	sadd.s32 s3, s30  }
0x11: {  	[tilespmem:s15+$0x1020 ss:$0x81] =	vst.msk $0xffff, v0;
	s13 =	sshll.u32 s31, $0x12;
	s12 =	sadd.s32 s12, s17;
	s16 =	sshrl.u32 s16, $0x3  }
0x12: {  	[tilespmem:s15+$0x0 ss:$0x81] =	vst.msk $0xffff, v1;
	s13 =	sor.u32 $0x400, s13;
	s12 =	sadd.s32 s16, s12  }
0x13: {  	[hbm4b:s12+s13] =	stream.strided.scatter [tilespmem:s14], [sflag:$0x2], $0x2000, s8, s13, $0x20;
	[tilespmem:$0x8080] =	vst v63  }
.LBB1_5:
0x14: {  	s14 =	sadd.s32 $0x1, s9  }
0x15: {  	s12 =	sadd.s32 $0x1000, s10;
	s16 =	smov.u32 s10;
	p2 =	sgt.s32 s14, $0xC7  }
0x16: {  	s16 =	smov.u32 @p2 s12  }
0x17: {  	s14 =	simm.s32 @p2 $0x0;
	p2 =	sgt.s32 s16, $0xFFF  }
0x18: {  	s16 =	smov.u32 @p2 s2;
	p2 =	sne.s32 s11, s7  }
.Ltmp1:
0x19: {  	p1 =	slt.u32 s11, $0x2;
	(pc) =	sbr.rel @!p2 .LBB1_6-.Ltmp1, $4  }
0x1a: {  	s15 =	simm.s32 @!p1 $0x2  }
0x1b: {  	s13 =	smov.u32 s10;
	p0 =	por !p0, !p0;
	_ =	swait.ge @!p1 [sflag:s15], $0x2000  }
0x1c: {  	s12 =	smov.u32 s9;
	[sflag:s15] =	ssyncset.done @!p1 $0x0;
	s9 =	smov.u32 s14  }
0x1d: {  	s11 =	sadd.s32 $0x1, s11;
	[sflag:s15] =	ssyncadd.s32 @!p1 $0xFFFFE000;
	s10 =	smov.u32 s16  }
.LBB1_1:
0x1e: {  	p1 =	sge.u32 s11, s5  }
0x1f: {  	s14 =	sand.u32 @!p1 $0x1FFFFFF, s9  }
0x20: {  	s15 =	smulhi.u32 @!p1 $0x147AE15, s14;
	_ =	sdelay $0x1  }
0x21: {  	s15 =	smul.u32 @!p1 $0xC8, s15  }
0x22: {  	s16 =	sxor.u32 @!p1 $0xFFFFFFFF, s11;
	s17 =	smul.u32 @!p1 $0xC80, s10  }
0x23: {  	s31 =	sadd.s32 $0xFFFFFFFF, s11;
	s16 =	sshll.u32 @!p1 s16, $0xD;
	s14 =	ssub.s32 @!p1 s14, s15  }
0x24: {  	s15 =	sand.u32 @!p1 $0x2000, s16;
	s16 =	sadd.s32 @!p1 s6, s17;
	s14 =	sshll.u32 @!p1 s14, $0x4  }
0x25: {  	s17 =	simm.s32 @!p1 $0x6400;
	s14 =	sadd.s32 @!p1 s14, s16;
	s16 =	simm.s32 @!p1 $0x40  }
0x26: {  	[tilespmem:s15], [sflag:$0x1] =	stream.strided.gather @!p1 [hbm4b:s14+s16], $0x2000, s17, s16, $0x38;
	[tilespmem:$0x8080] =	vst v63  }
0x27: {  	p1 =	sge.u32 s31, s5  }
.Ltmp2:
0x28: {  	_ = 	snop;
	(pc) =	sbr.rel @p1 .LBB1_5-.Ltmp2, $1  }
0x29: {  	_ =	sdelay $0x3  }
0x2a: {  	s14 =	simm.s32 $0x1  }
0x2b: {  	_ =	swait.ge [sflag:s4], $0x2000;
	s14 =	simm.s32 @!p0 $0x0  }
0x2c: {  	[sflag:s4] =	ssyncset.done $0x0;
	s15 =	sshll.u32 s14, $0xD  }
0x2d: {  	[sflag:s4] =	ssyncadd.s32 $0xFFFFE000;
	s18 =	sor.u32 $0x20, s15  }
0x2e: {  	s14 =	smul.u32 $0x8100, s14;
	v3 =	vld [tilespmem:s18+$0x10]  }
0x2f: {  	s30 =	sand.u32 $0x1, s11;
	v2 =	vld [tilespmem:s18+$0xFFFFFFF0]  }
0x30: {  	s15 =	smul.u32 $0x8100, s30;
	s14 =	sshrl.u32 s14, $0x2;
	v0 =	vld [tilespmem:s18+$0x0]  }
0x31: {  	v1 =	vld [tilespmem:s18+$0xFFFFFFE0];
	s16 =	sor.u32 $0x4000, s14  }
0x32: {  	s31 =	sshrl.u32 s15, $0x2;
	s15 =	sadd.s32 $0x0, s16  }
0x33: {  	s17 =	simm.s32 $0x4;
	s18 =	sadd.s32 $0x40, s18;
	s14 =	sor.u32 $0x4000, s31;
	[tilespmem:s15+$0x1830 ss:$0x81] =	vst.msk $0xffff, v3  }
.LBB1_3:
0x34: {  	v3 =	vld [tilespmem:s18+$0x10];
	p1 =	sne.s32 s17, $0x1FC;
	[tilespmem:s15+$0x810 ss:$0x81] =	vst.msk $0xffff, v2;
	s19 =	smov.u32 s17;
	s17 =	sadd.s32 $0x4, s17  }
.Ltmp3:
0x35: {  	v2 =	vld [tilespmem:s18+$0xFFFFFFF0];
	[tilespmem:s15+$0x1020 ss:$0x81] =	vst.msk $0xffff, v0;
	(pc) =	sbr.rel @p1 .LBB1_3-.Ltmp3, $4  }
0x36: {  	v0 =	vld [tilespmem:s18+$0x0];
	[tilespmem:s15+$0x0 ss:$0x81] =	vst.msk $0xffff, v1  }
0x37: {  	s15 =	sshra.s32 s19, $0x2;
	v1 =	vld [tilespmem:s18+$0xFFFFFFE0]  }
0x38: {  	s15 =	sadd.s32 s15, s16  }
0x39: {  	s18 =	sadd.s32 $0x40, s18;
	[tilespmem:s15+$0x1830 ss:$0x81] =	vst.msk $0xffff, v3  }
.Ltmp4:
0x3a: {  	_ = 	snop;
	(pc) =	sbr.rel .LBB1_4-.Ltmp4, $1  }
0x3b: {  	_ =	sdelay $0x3  }
.LBB1_6:
0x3c: {  	_ =	sfence.sel $0x180000  }
0x3d: {  	s2 =	simm.s32 $0x1;
	[bflag:$0x0] =	sbarrier.arrive $0xFFFF  }
0x3e: {  	s31 =	simm.s32 $0x2;
	[sflag:s2] =	ssyncpa.u1 $0x1  }
0x3f: {  	[sflag:s31] =	ssyncpa.u1 $0x1  }
0x40: {  	p0 =	sne.s32 s0, $0x0;
	_ =	strace $0x9000004A  }
0x41: {  	s0 =	sadd.s32 @!p0 $0x100000, s1;
	[bflag:$0x2] =	sbarrier.arrive $0xFFFF  }
0x42: {  	[sflag:s0] =	ssyncadd.tile.s32 @!p0 $0x1;
	_ =	shalt  }
.Lfunc_end1:
_tile_overlayer_lowered:
.L_overlay_start_2:
0x43: {  	(tag) =	ssettag $0x2  }
0x44: {  	s0 =	rddreg [dreg:$0x0];
	s2 =	stileid.u32  }
0x45: {  	s1 =	rddreg [dreg:$0x1];
	p0 =	sne.s32 s2, $0x0  }
0x46: {  	s3 =	rddreg [dreg:$0x2];
	[bflag:$0x3] =	sbarrier.arrive $0xFFFF;
	s2 =	simm.s32 @!p0 $0x1C01  }
0x47: {  	[timem:s3], [sflag:s2] =	dma.local @!p0 [hbm:s0], s1  }
0x48: {  	s0 =	simm.s32 @!p0 $0x1  }
0x49: {  	_ =	swait.ge @!p0 [sflag:s0], s1  }
0x4a: {  	s1 =	ssub.s32 @!p0 $0x0, s1;
	[sflag:s0] =	ssyncset.done @!p0 $0x0  }
0x4b: {  	[sflag:s0] =	ssyncadd.s32 @!p0 s1  }
0x4c: {  	[bflag:$0x3] =	sbarrier.arrive $0xFFFF  }
0x4d: {  	_ =	shalt  }

</sc_bundles>
